<compile_context>
chip_gen: v7x
topology: tpu7x:2x2x1
jax: 0.10.2.dev20260603
libtpu: 0.0.44.dev20260713+nightly
codegen_flags: <defaults>
</compile_context>

<pallas_src>
import functools

import jax
import jax.numpy as jnp
from jax import lax
from jax.experimental import pallas as pl
from jax.experimental.pallas import tpu as pltpu
from jax.experimental.pallas import tpu_sc as plsc

_NC = 8192
_NOBJ = 32
_DIMC = _NC + _NOBJ
_D = 64
_S = 16
_B = 32
_P = 4
_CHUNK = 2048
_NCHUNK = _NC // _CHUNK
_PD = _P * _D
_PS = _P * _S


_NW = 32
_CW = (_B * _NOBJ) // _NW
_AW = _CW * 8


def _sc_gather_body(idxc_hbm, idxa_hbm, cls2_hbm, attr2_hbm,
                    outc_hbm, outa_hbm, idx_c, idx_a, rows_c, rows_a, sem):
    wid = lax.axis_index("s") * 2 + lax.axis_index("c")
    basec = wid * _CW
    basea = wid * _AW
    pltpu.sync_copy(idxc_hbm.at[pl.ds(basec, _CW)], idx_c)
    pltpu.sync_copy(idxa_hbm.at[pl.ds(basea, _AW)], idx_a)
    cp1 = pltpu.async_copy(cls2_hbm.at[idx_c], rows_c, sem)
    cp2 = pltpu.async_copy(attr2_hbm.at[idx_a], rows_a, sem)
    cp1.wait()
    cp2.wait()
    pltpu.sync_copy(rows_c, outc_hbm.at[pl.ds(basec, _CW)])
    pltpu.sync_copy(rows_a, outa_hbm.at[pl.ds(basea, _AW)])


def _sc_gather(idxc, idxa, cls2, attr2):
    mesh = plsc.VectorSubcoreMesh(core_axis_name="c", subcore_axis_name="s")
    kern = functools.partial(
        pl.kernel,
        mesh=mesh,
        out_type=[jax.ShapeDtypeStruct((_B * _NOBJ, 2 * _D), jnp.float32),
                  jax.ShapeDtypeStruct((_B * _NOBJ * 8, 2 * _D), jnp.float32)],
        scratch_types=[
            pltpu.VMEM((_CW,), jnp.int32),
            pltpu.VMEM((_AW,), jnp.int32),
            pltpu.VMEM((_CW, 2 * _D), jnp.float32),
            pltpu.VMEM((_AW, 2 * _D), jnp.float32),
            pltpu.SemaphoreType.DMA,
        ],
    )(_sc_gather_body)
    return kern(idxc, idxa, cls2, attr2)


def _eye(n):
    return (lax.broadcasted_iota(jnp.int32, (n, n), 0)
            == lax.broadcasted_iota(jnp.int32, (n, n), 1)).astype(jnp.float32)


def _mT_of(a, s):
    return lax.dot_general(s, a, (((0,), (0,)), ((), ())),
                           preferred_element_type=jnp.float32) * (1.0 / (_D * _S))


def _sample(g, logits):
    v = g if logits is None else g + logits
    m = jnp.max(v, axis=1, keepdims=True)
    iota = lax.broadcasted_iota(jnp.int32, (_S, _NC), 1)
    idx = jnp.min(jnp.where(v == m, iota, _NC), axis=1, keepdims=True)
    return (iota == idx).astype(jnp.float32)


def _mlp(x_all, w1, b1r, w2, b2r):
    h = jax.nn.relu(jnp.dot(x_all, w1, preferred_element_type=jnp.float32)
                    + b1r)
    return jnp.dot(h, w2, preferred_element_type=jnp.float32) + b2r


def _step0_body(ct_ref, g_ref, oparg_ref, w1_ref, b1_ref, w2_ref,
                b2_ref, init_ref, axon_out, attsel_out):
    initrow = init_ref[...]
    onehots = [_sample(g_ref[:, k * _NC:(k + 1) * _NC], None)
               for k in range(_P)]
    tout_all = jnp.dot(jnp.concatenate(onehots, axis=0), ct_ref[...],
                       preferred_element_type=jnp.float32)
    gb = jnp.broadcast_to(initrow, (_PS, _D))
    x_all = jnp.concatenate([tout_all, gb, oparg_ref[0]], axis=1)
    axon_all = _mlp(x_all, w1_ref[...], b1_ref[...], w2_ref[...], b2_ref[...])
    for k in range(_P):
        axon_out[k] = axon_all[k * _S:(k + 1) * _S]
        attsel_out[k] = jnp.broadcast_to(initrow, (_S, _D))


def _step_body(ctT_ref, ct_ref, g_ref, objT_ref, axon_ref, attsel_ref,
               oparg_ref, w1_ref, b1_ref, w2_ref, b2_ref,
               axon_out, attsel_out, scal_ref):
    ctT = ctT_ref[...]
    mTs = [_mT_of(axon_ref[k], attsel_ref[k]) for k in range(_P)]
    mT_all = jnp.concatenate(mTs, axis=0)
    ones_row = jnp.ones((1, _D), jnp.float32)
    acc = jnp.zeros((_PD, _CHUNK), jnp.float32)
    for c in range(_NCHUNK):
        attT_all = jax.nn.relu(jnp.dot(mT_all,
                                       ctT[:, c * _CHUNK:(c + 1) * _CHUNK],
                                       preferred_element_type=jnp.float32))
        for k in range(_P):
            scal_ref[k:k + 1, c * _CHUNK:(c + 1) * _CHUNK] = jnp.dot(
                ones_row, attT_all[k * _D:(k + 1) * _D],
                preferred_element_type=jnp.float32)
        acc = acc + attT_all
    rowtot = jnp.sum(acc, axis=1, keepdims=True)
    eye = _eye(_D)
    onehots, grows = [], []
    for k in range(_P):
        attT_obj = jax.nn.relu(jnp.dot(mTs[k], objT_ref[k],
                                       preferred_element_type=jnp.float32))
        gcol = (rowtot[k * _D:(k + 1) * _D]
                + jnp.sum(attT_obj, axis=1, keepdims=True)) * (1.0 / _DIMC)
        grows.append(lax.dot_general(gcol, eye, (((0,), (0,)), ((), ())),
                                     preferred_element_type=jnp.float32))
        scal = scal_ref[k:k + 1, :]
        logits = jnp.log(scal / jnp.sum(scal) + 1e-12)
        onehots.append(_sample(g_ref[:, k * _NC:(k + 1) * _NC], logits))
    tout_all = jnp.dot(jnp.concatenate(onehots, axis=0), ct_ref[...],
                       preferred_element_type=jnp.float32)
    xs = []
    for k in range(_P):
        tout_k = tout_all[k * _S:(k + 1) * _S]
        attsel_out[k] = jax.nn.relu(
            lax.dot_general(tout_k, mTs[k], (((1,), (1,)), ((), ())),
                            preferred_element_type=jnp.float32))
        xs.append(jnp.concatenate(
            [tout_k, jnp.broadcast_to(grows[k], (_S, _D)),
             oparg_ref[0][k * _S:(k + 1) * _S]], axis=1))
    x_all = jnp.concatenate(xs, axis=0)
    axon_all = _mlp(x_all, w1_ref[...], b1_ref[...], w2_ref[...], b2_ref[...])
    for k in range(_P):
        axon_out[k] = axon_all[k * _S:(k + 1) * _S]


def _final_body(ctT_ref, objT_ref, axon_ref, attsel_ref, out_ref, len_ref):
    ctT = ctT_ref[...]
    mTs = [_mT_of(axon_ref[k], attsel_ref[k]) for k in range(_P)]
    mT_all = jnp.concatenate(mTs, axis=0)
    inv = jnp.ones((1, _D), jnp.float32) * (1.0 / _D)
    for c in range(_NCHUNK):
        attT_all = jax.nn.relu(jnp.dot(mT_all,
                                       ctT[:, c * _CHUNK:(c + 1) * _CHUNK],
                                       preferred_element_type=jnp.float32))
        sq = attT_all * attT_all
        for k in range(_P):
            len_ref[k:k + 1, c * _CHUNK:(c + 1) * _CHUNK] = jnp.dot(
                inv, sq[k * _D:(k + 1) * _D],
                preferred_element_type=jnp.float32)
    for k in range(_P):
        attT_obj = jax.nn.relu(jnp.dot(mTs[k], objT_ref[k],
                                       preferred_element_type=jnp.float32))
        len_ref[k:k + 1, _NC:] = jnp.dot(inv, attT_obj * attT_obj,
                                         preferred_element_type=jnp.float32)
    x = len_ref[...]
    m = jnp.max(x, axis=1, keepdims=True)
    sh = x - m
    out_ref[0] = sh - jnp.log(jnp.sum(jnp.exp(sh), axis=1, keepdims=True))


def kernel(gt_classes, gt_attributes, program, answer, class_emb_in,
           class_emb_out, attr_emb_in, attr_emb_out, concept_emb_in,
           concept_emb_out, op_emb, object_init, attention_init, W1, b1,
           W2, b2):
    del answer, class_emb_out, attr_emb_out, object_init
    f32 = jnp.float32
    B = _B
    NG = B // _P

    cls_idx = (gt_classes + 1).reshape(-1).astype(jnp.int32)
    attr_idx = (gt_attributes + 1).reshape(-1).astype(jnp.int32)
    cls2 = class_emb_in.reshape(-1, 2 * _D)
    attr2 = attr_emb_in.reshape(-1, 2 * _D)
    pc, pa = _sc_gather(cls_idx >> 1, attr_idx >> 1, cls2, attr2)
    parc = (cls_idx & 1)[:, None].astype(f32)
    para = (attr_idx & 1)[:, None].astype(f32)
    crow = pc[:, :_D] * (1 - parc) + pc[:, _D:] * parc
    arow = pa[:, :_D] * (1 - para) + pa[:, _D:] * para
    obj_in = (crow + arow.reshape(-1, 8, _D).sum(1)).reshape(B, _NOBJ, _D)
    objT = jnp.transpose(obj_in, (0, 2, 1))
    ctT = concept_emb_in.T
    operations = jnp.take(op_emb, program[:, :, 0], axis=0)
    arguments = jnp.take(concept_emb_out, program[:, :, 1], axis=0)
    opargs = jnp.concatenate([operations, arguments], axis=2)
    opargs = jnp.broadcast_to(
        opargs.transpose(1, 0, 2)[:, :, None, :], (4, B, _S, 96)
    ).reshape(4, NG, _PS, 96)
    b1r, b2r = b1[None], b2[None]
    initrow = attention_init[None]

    skey = jax.random.key(42)
    gs = [jax.random.gumbel(jax.random.fold_in(skey, i), (_S, B * _NC), f32)
          for i in range(4)]

    const_spec = pl.BlockSpec((_D, _NC), lambda i: (0, 0))
    ct_spec = pl.BlockSpec((_NC, _D), lambda i: (0, 0))
    g_spec = pl.BlockSpec((_S, _P * _NC), lambda i: (0, i))
    slab3 = lambda shp: pl.BlockSpec(shp, lambda i: (i, 0, 0))
    full = lambda shp: pl.BlockSpec(shp, lambda i: (0,) * len(shp))
    state_shape = jax.ShapeDtypeStruct((B, _S, _D), f32)
    state_spec = slab3((_P, _S, _D))
    oparg_spec = slab3((1, _PS, 96))

    step0 = pl.pallas_call(
        _step0_body,
        grid=(NG,),
        in_specs=[ct_spec, g_spec, oparg_spec,
                  full((224, 256)), full((1, 256)), full((256, 64)),
                  full((1, 64)), full((1, _D))],
        out_specs=[state_spec, state_spec],
        out_shape=[state_shape, state_shape],
    )
    axon, attsel = step0(concept_emb_in, gs[0], opargs[0], W1, b1r,
                         W2, b2r, initrow)

    step = pl.pallas_call(
        _step_body,
        grid=(NG,),
        in_specs=[const_spec, ct_spec, g_spec, slab3((_P, _D, _NOBJ)),
                  state_spec, state_spec, oparg_spec,
                  full((224, 256)), full((1, 256)), full((256, 64)),
                  full((1, 64))],
        out_specs=[state_spec, state_spec],
        out_shape=[state_shape, state_shape],
        scratch_shapes=[pltpu.VMEM((_P, _NC), f32)],
    )
    for i in range(1, 4):
        axon, attsel = step(ctT, concept_emb_in, gs[i], objT, axon, attsel,
                            opargs[i], W1, b1r, W2, b2r)

    final = pl.pallas_call(
        _final_body,
        grid=(NG,),
        in_specs=[const_spec, slab3((_P, _D, _NOBJ)), state_spec, state_spec],
        out_specs=pl.BlockSpec((1, _P, _DIMC), lambda i: (i, 0, 0)),
        out_shape=jax.ShapeDtypeStruct((NG, _P, _DIMC), f32),
        scratch_shapes=[pltpu.VMEM((_P, _DIMC), f32)],
    )
    return final(ctT, objT, axon, attsel).reshape(B, _DIMC)

# --- scband reference (transcript-rebuilt; emitter-appended) ---
"""Pipeline reference for scband-relation-model-2027224564267 (READ-ONLY COPY).

The authoritative reference and input builder live on the scoring server;
editing this copy changes nothing except your own understanding.
"""

import jax, jax.numpy as jnp
import numpy as np

NUM_CLASSES = 100000
NUM_ATTRIBUTES = 1000
MAX_CONCEPTS = 8192
EMBED_DIM = 64
OPERATION_DIM = 32
ATTENTION_DIM = 64
HIDDEN_DIM = 256
MAX_OBJECTS = 32
MAX_PROGRAM_LENGTH = 4
SIZE_ATTENTION = 16
NUM_OPERATIONS = 32
BATCH = 32
N_ATTR_PER_OBJ = 8


def setup_inputs(seed: int = 0):
    key = jax.random.key(seed)
    ks = [jax.random.fold_in(key, i) for i in range(20)]
    gt_classes = jax.random.randint(ks[0], (BATCH, MAX_OBJECTS), 0, 99999)
    gt_attributes = jax.random.randint(ks[1], (BATCH, MAX_OBJECTS, N_ATTR_PER_OBJ), 0, 999)
    program = jax.random.randint(ks[2], (BATCH, MAX_PROGRAM_LENGTH, 2), 0, 32)
    answer = jax.random.randint(ks[3], (BATCH,), 0, 10)
    s = 0.02
    class_emb_in = jax.random.normal(ks[4], (NUM_CLASSES, EMBED_DIM), dtype=jnp.float32) * s
    class_emb_out = jax.random.normal(ks[5], (NUM_CLASSES, EMBED_DIM), dtype=jnp.float32) * s
    attr_emb_in = jax.random.normal(ks[6], (NUM_ATTRIBUTES, EMBED_DIM), dtype=jnp.float32) * s
    attr_emb_out = jax.random.normal(ks[7], (NUM_ATTRIBUTES, EMBED_DIM), dtype=jnp.float32) * s
    concept_emb_in = jax.random.normal(ks[8], (MAX_CONCEPTS, EMBED_DIM), dtype=jnp.float32) * s
    concept_emb_out = jax.random.normal(ks[9], (MAX_CONCEPTS, EMBED_DIM), dtype=jnp.float32) * s
    op_emb = jax.random.normal(ks[10], (NUM_OPERATIONS, OPERATION_DIM), dtype=jnp.float32) * s
    object_init = jax.random.normal(ks[11], (EMBED_DIM,), dtype=jnp.float32)
    attention_init = jax.random.normal(ks[12], (ATTENTION_DIM,), dtype=jnp.float32)
    in_dim = ATTENTION_DIM + OPERATION_DIM + 2 * EMBED_DIM
    W1 = jax.random.normal(ks[13], (in_dim, HIDDEN_DIM), dtype=jnp.float32) * 0.05
    b1 = jnp.zeros((HIDDEN_DIM,), dtype=jnp.float32)
    W2 = jax.random.normal(ks[14], (HIDDEN_DIM, EMBED_DIM), dtype=jnp.float32) * 0.05
    b2 = jnp.zeros((EMBED_DIM,), dtype=jnp.float32)
    return {"gt_classes": gt_classes, "gt_attributes": gt_attributes, "program": program, "answer": answer,
            "class_emb_in": class_emb_in, "class_emb_out": class_emb_out, "attr_emb_in": attr_emb_in,
            "attr_emb_out": attr_emb_out, "concept_emb_in": concept_emb_in, "concept_emb_out": concept_emb_out,
            "op_emb": op_emb, "object_init": object_init, "attention_init": attention_init,
            "W1": W1, "b1": b1, "W2": W2, "b2": b2}


def reference(gt_classes, gt_attributes, program, answer, class_emb_in, class_emb_out,
              attr_emb_in, attr_emb_out, concept_emb_in, concept_emb_out, op_emb,
              object_init, attention_init, W1, b1, W2, b2):
    B = answer.shape[0]
    dim_concept = MAX_CONCEPTS + MAX_OBJECTS
    # embed_without_bg: gather with index+1; 2D attribute case masks bg and sums
    non_bg = (gt_attributes != -1).astype(jnp.float32)
    obj_in = jnp.take(class_emb_in, gt_classes + 1, axis=0) + \
        (jnp.take(attr_emb_in, gt_attributes + 1, axis=0) * non_bg[..., None]).sum(2)
    obj_out = jnp.take(class_emb_out, gt_classes + 1, axis=0) + \
        (jnp.take(attr_emb_out, gt_attributes + 1, axis=0) * non_bg[..., None]).sum(2)
    # NOTE: original uses concept_embeddingIn.weight for both thoughtIn and thoughtOut
    concepts = jnp.broadcast_to(concept_emb_in[None], (B, MAX_CONCEPTS, EMBED_DIM))
    thought_in = jnp.concatenate([concepts, obj_in], axis=1)
    thought_out = jnp.concatenate([concepts, obj_out], axis=1)
    attention = jnp.broadcast_to(attention_init[None, None], (B, dim_concept, ATTENTION_DIM))
    operations = jnp.take(op_emb, program[:, :, 0], axis=0)
    arguments = jnp.take(concept_emb_out, program[:, :, 1], axis=0)
    skey = jax.random.key(42)
    for i in range(MAX_PROGRAM_LENGTH):
        gather = attention.mean(1)
        att_scalar = jnp.abs(attention).sum(2)
        p = att_scalar[:, :MAX_CONCEPTS]
        p = p / p.sum(1, keepdims=True)
        logits = jnp.log(p + 1e-12)
        sel = jax.random.categorical(jax.random.fold_in(skey, i), logits, shape=(SIZE_ATTENTION, B)).T
        att_sel = jnp.take_along_axis(attention, sel[:, :, None], axis=1)
        tout_sel = jnp.take_along_axis(thought_out, sel[:, :, None], axis=1)
        meta = jnp.concatenate([gather, operations[:, i], arguments[:, i]], axis=1)
        meta = jnp.broadcast_to(meta[:, None], (B, SIZE_ATTENTION, meta.shape[-1]))
        x = jnp.concatenate([tout_sel, meta], axis=2)
        axon = jax.nn.relu(x @ W1 + b1) @ W2 + b2
        sim = jnp.einsum('bjd,bsd->bjs', thought_in, axon) / EMBED_DIM
        new_att = jnp.einsum('bjs,bsa->bja', sim, att_sel) / SIZE_ATTENTION
        attention = jax.nn.relu(new_att)
    out_len = (attention ** 2).mean(2)
    return jax.nn.log_softmax(out_len, axis=1)

if __name__ == "__main__":
    import jax
    _d = setup_inputs()
    print(jax.jit(kernel)(*tuple(_d.values())))

</pallas_src>

<mosaic_0001>
#map = affine_map<(d0, d1) -> (0)>
#map1 = affine_map<(d0, d1) -> (0, 0)>
module attributes {stable_mosaic.version = 14 : i64} {
  func.func @_sc_gather_body(%arg0: i32, %arg1: i32, %arg2: memref<1024xi32, #tpu.memory_space<hbm>>, %arg3: memref<8192xi32, #tpu.memory_space<hbm>>, %arg4: memref<50000x128xf32, #tpu.memory_space<hbm>>, %arg5: memref<500x128xf32, #tpu.memory_space<hbm>>, %arg6: memref<1024x128xf32, #tpu.memory_space<hbm>>, %arg7: memref<8192x128xf32, #tpu.memory_space<hbm>>, %arg8: memref<32xi32, #tpu.memory_space<vmem>>, %arg9: memref<256xi32, #tpu.memory_space<vmem>>, %arg10: memref<32x128xf32, #tpu.memory_space<vmem>>, %arg11: memref<256x128xf32, #tpu.memory_space<vmem>>, %arg12: memref<!tpu.dma_semaphore, #tpu.memory_space<semaphore_mem>>) attributes {dimension_semantics = [#tpu.dimension_semantics<core_parallel>, #tpu.dimension_semantics<subcore_parallel>], iteration_bounds = array<i64: 2, 16>, scalar_prefetch = 0 : i64, scratch_operands = 5 : i64, tpu.core_type = #tpu.core_type<sc_vector_subcore>, window_params = [{transform_indices = #map}, {transform_indices = #map}, {transform_indices = #map1}, {transform_indices = #map1}, {transform_indices = #map1}, {transform_indices = #map1}]} {
    %mul3A = arith.constant 2 : i32
    %mul3A_0 = arith.muli %arg1, %mul3A : i32
    %add3A = arith.addi %mul3A_0, %arg0 : i32
    %mul3A_1 = arith.constant 32 : i32
    %mul3A_2 = arith.muli %add3A, %mul3A_1 : i32
    %mul3A_3 = arith.constant 256 : i32
    %mul3A_4 = arith.muli %add3A, %mul3A_3 : i32
    "tpu.region"() ({
      %run_scoped3A = tpu.sem_alloc : memref<!tpu.dma_semaphore, #tpu.memory_space<semaphore_mem>>
      %dma_start3A_15 = tpu.memref_slice %arg2[%mul3A_2] : memref<1024xi32, #tpu.memory_space<hbm>> -> memref<32xi32, #tpu.memory_space<hbm>>
      %dma_start3A_16 = tpu.memref_slice %arg2[%mul3A_2] : memref<1024xi32, #tpu.memory_space<hbm>> -> memref<32xi32, #tpu.memory_space<hbm>>
      tpu.enqueue_dma source(%dma_start3A_16 : memref<32xi32, #tpu.memory_space<hbm>>) target(%arg8 : memref<32xi32, #tpu.memory_space<vmem>>) target_semaphore(%run_scoped3A : memref<!tpu.dma_semaphore, #tpu.memory_space<semaphore_mem>>)
      %dma_wait3A_17 = tpu.memref_slice %arg2[%mul3A_2] : memref<1024xi32, #tpu.memory_space<hbm>> -> memref<32xi32, #tpu.memory_space<hbm>>
      %dma_wait3A_18 = tpu.memref_slice %arg2[%mul3A_2] : memref<1024xi32, #tpu.memory_space<hbm>> -> memref<32xi32, #tpu.memory_space<hbm>>
      tpu.wait_dma2 semaphore(%run_scoped3A : memref<!tpu.dma_semaphore, #tpu.memory_space<semaphore_mem>>) src(%dma_wait3A_18 : memref<32xi32, #tpu.memory_space<hbm>>) dst(%arg8 : memref<32xi32, #tpu.memory_space<vmem>>)
      tpu.yield
    }) : () -> ()
    "tpu.region"() ({
      %run_scoped3A = tpu.sem_alloc : memref<!tpu.dma_semaphore, #tpu.memory_space<semaphore_mem>>
      %dma_start3A_15 = tpu.memref_slice %arg3[%mul3A_4] : memref<8192xi32, #tpu.memory_space<hbm>> -> memref<256xi32, #tpu.memory_space<hbm>>
      %dma_start3A_16 = tpu.memref_slice %arg3[%mul3A_4] : memref<8192xi32, #tpu.memory_space<hbm>> -> memref<256xi32, #tpu.memory_space<hbm>>
      tpu.enqueue_dma source(%dma_start3A_16 : memref<256xi32, #tpu.memory_space<hbm>>) target(%arg9 : memref<256xi32, #tpu.memory_space<vmem>>) target_semaphore(%run_scoped3A : memref<!tpu.dma_semaphore, #tpu.memory_space<semaphore_mem>>)
      %dma_wait3A_17 = tpu.memref_slice %arg3[%mul3A_4] : memref<8192xi32, #tpu.memory_space<hbm>> -> memref<256xi32, #tpu.memory_space<hbm>>
      %dma_wait3A_18 = tpu.memref_slice %arg3[%mul3A_4] : memref<8192xi32, #tpu.memory_space<hbm>> -> memref<256xi32, #tpu.memory_space<hbm>>
      tpu.wait_dma2 semaphore(%run_scoped3A : memref<!tpu.dma_semaphore, #tpu.memory_space<semaphore_mem>>) src(%dma_wait3A_18 : memref<256xi32, #tpu.memory_space<hbm>>) dst(%arg9 : memref<256xi32, #tpu.memory_space<vmem>>)
      tpu.yield
    }) : () -> ()
    %dma_start3A = arith.constant 0 : i32
    %dma_start3A_5 = arith.constant 0 : i32
    %dma_start3A_6 = tpu.memref_slice %arg4[%dma_start3A, %dma_start3A_5] : memref<50000x128xf32, #tpu.memory_space<hbm>> -> memref<50000x128xf32, #tpu.memory_space<hbm>>
    tpu.enqueue_indirect_dma source(%dma_start3A_6 : memref<50000x128xf32, #tpu.memory_space<hbm>>) target(%arg10 : memref<32x128xf32, #tpu.memory_space<vmem>>) offsets(%arg8 : memref<32xi32, #tpu.memory_space<vmem>>) semaphore(%arg12 : memref<!tpu.dma_semaphore, #tpu.memory_space<semaphore_mem>>)
    %dma_start3A_7 = arith.constant 0 : i32
    %dma_start3A_8 = arith.constant 0 : i32
    %dma_start3A_9 = tpu.memref_slice %arg5[%dma_start3A_7, %dma_start3A_8] : memref<500x128xf32, #tpu.memory_space<hbm>> -> memref<500x128xf32, #tpu.memory_space<hbm>>
    tpu.enqueue_indirect_dma source(%dma_start3A_9 : memref<500x128xf32, #tpu.memory_space<hbm>>) target(%arg11 : memref<256x128xf32, #tpu.memory_space<vmem>>) offsets(%arg9 : memref<256xi32, #tpu.memory_space<vmem>>) semaphore(%arg12 : memref<!tpu.dma_semaphore, #tpu.memory_space<semaphore_mem>>)
    %dma_wait3A = arith.constant 0 : i32
    %dma_wait3A_10 = arith.constant 0 : i32
    %dma_wait3A_11 = tpu.memref_slice %arg4[%dma_wait3A, %dma_wait3A_10] : memref<50000x128xf32, #tpu.memory_space<hbm>> -> memref<50000x128xf32, #tpu.memory_space<hbm>>
    tpu.wait_indirect_dma semaphore(%arg12 : memref<!tpu.dma_semaphore, #tpu.memory_space<semaphore_mem>>) src(%dma_wait3A_11 : memref<50000x128xf32, #tpu.memory_space<hbm>>) dst(%arg10 : memref<32x128xf32, #tpu.memory_space<vmem>>)
    %dma_wait3A_12 = arith.constant 0 : i32
    %dma_wait3A_13 = arith.constant 0 : i32
    %dma_wait3A_14 = tpu.memref_slice %arg5[%dma_wait3A_12, %dma_wait3A_13] : memref<500x128xf32, #tpu.memory_space<hbm>> -> memref<500x128xf32, #tpu.memory_space<hbm>>
    tpu.wait_indirect_dma semaphore(%arg12 : memref<!tpu.dma_semaphore, #tpu.memory_space<semaphore_mem>>) src(%dma_wait3A_14 : memref<500x128xf32, #tpu.memory_space<hbm>>) dst(%arg11 : memref<256x128xf32, #tpu.memory_space<vmem>>)
    "tpu.region"() ({
      %run_scoped3A = tpu.sem_alloc : memref<!tpu.dma_semaphore, #tpu.memory_space<semaphore_mem>>
      %dma_start3A_15 = arith.constant 0 : i32
      %dma_start3A_16 = tpu.memref_slice %arg6[%mul3A_2, %dma_start3A_15] : memref<1024x128xf32, #tpu.memory_space<hbm>> -> memref<32x128xf32, #tpu.memory_space<hbm>>
      %dma_start3A_17 = arith.constant 0 : i32
      %dma_start3A_18 = tpu.memref_slice %arg6[%mul3A_2, %dma_start3A_17] : memref<1024x128xf32, #tpu.memory_space<hbm>> -> memref<32x128xf32, #tpu.memory_space<hbm>>
      tpu.enqueue_dma source(%arg10 : memref<32x128xf32, #tpu.memory_space<vmem>>) target(%dma_start3A_18 : memref<32x128xf32, #tpu.memory_space<hbm>>) target_semaphore(%run_scoped3A : memref<!tpu.dma_semaphore, #tpu.memory_space<semaphore_mem>>)
      %dma_wait3A_19 = arith.constant 0 : i32
      %dma_wait3A_20 = tpu.memref_slice %arg6[%mul3A_2, %dma_wait3A_19] : memref<1024x128xf32, #tpu.memory_space<hbm>> -> memref<32x128xf32, #tpu.memory_space<hbm>>
      %dma_wait3A_21 = arith.constant 0 : i32
      %dma_wait3A_22 = tpu.memref_slice %arg6[%mul3A_2, %dma_wait3A_21] : memref<1024x128xf32, #tpu.memory_space<hbm>> -> memref<32x128xf32, #tpu.memory_space<hbm>>
      tpu.wait_dma2 semaphore(%run_scoped3A : memref<!tpu.dma_semaphore, #tpu.memory_space<semaphore_mem>>) src(%arg10 : memref<32x128xf32, #tpu.memory_space<vmem>>) dst(%dma_wait3A_22 : memref<32x128xf32, #tpu.memory_space<hbm>>)
      tpu.yield
    }) : () -> ()
    "tpu.region"() ({
      %run_scoped3A = tpu.sem_alloc : memref<!tpu.dma_semaphore, #tpu.memory_space<semaphore_mem>>
      %dma_start3A_15 = arith.constant 0 : i32
      %dma_start3A_16 = tpu.memref_slice %arg7[%mul3A_4, %dma_start3A_15] : memref<8192x128xf32, #tpu.memory_space<hbm>> -> memref<256x128xf32, #tpu.memory_space<hbm>>
      %dma_start3A_17 = arith.constant 0 : i32
      %dma_start3A_18 = tpu.memref_slice %arg7[%mul3A_4, %dma_start3A_17] : memref<8192x128xf32, #tpu.memory_space<hbm>> -> memref<256x128xf32, #tpu.memory_space<hbm>>
      tpu.enqueue_dma source(%arg11 : memref<256x128xf32, #tpu.memory_space<vmem>>) target(%dma_start3A_18 : memref<256x128xf32, #tpu.memory_space<hbm>>) target_semaphore(%run_scoped3A : memref<!tpu.dma_semaphore, #tpu.memory_space<semaphore_mem>>)
      %dma_wait3A_19 = arith.constant 0 : i32
      %dma_wait3A_20 = tpu.memref_slice %arg7[%mul3A_4, %dma_wait3A_19] : memref<8192x128xf32, #tpu.memory_space<hbm>> -> memref<256x128xf32, #tpu.memory_space<hbm>>
      %dma_wait3A_21 = arith.constant 0 : i32
      %dma_wait3A_22 = tpu.memref_slice %arg7[%mul3A_4, %dma_wait3A_21] : memref<8192x128xf32, #tpu.memory_space<hbm>> -> memref<256x128xf32, #tpu.memory_space<hbm>>
      tpu.wait_dma2 semaphore(%run_scoped3A : memref<!tpu.dma_semaphore, #tpu.memory_space<semaphore_mem>>) src(%arg11 : memref<256x128xf32, #tpu.memory_space<vmem>>) dst(%dma_wait3A_22 : memref<256x128xf32, #tpu.memory_space<hbm>>)
      tpu.yield
    }) : () -> ()
    return
  }
}

module attributes {stable_mosaic.version = 14 : i64} {
  func.func @_step0_body(%arg0: i32, %arg1: memref<8192x64xf32, #tpu.memory_space<vmem>>, %arg2: memref<16x32768xf32, #tpu.memory_space<vmem>>, %arg3: memref<1x64x96xf32, #tpu.memory_space<vmem>>, %arg4: memref<224x256xf32, #tpu.memory_space<vmem>>, %arg5: memref<1x256xf32, #tpu.memory_space<vmem>>, %arg6: memref<256x64xf32, #tpu.memory_space<vmem>>, %arg7: memref<1x64xf32, #tpu.memory_space<vmem>>, %arg8: memref<1x64xf32, #tpu.memory_space<vmem>>, %arg9: memref<4x16x64xf32, #tpu.memory_space<vmem>>, %arg10: memref<4x16x64xf32, #tpu.memory_space<vmem>>) attributes {dimension_semantics = [#tpu.dimension_semantics<arbitrary>], iteration_bounds = array<i64: 8>, scalar_prefetch = 0 : i64, scratch_operands = 0 : i64, tpu.core_type = #tpu.core_type<tc>, window_params = [{pipeline_mode = #tpu.pipeline_mode<synchronous>, transform_indices = @transform_0, window_bounds = array<i64: 8192, 64>}, {transform_indices = @transform_1, window_bounds = array<i64: 16, 32768>}, {transform_indices = @transform_2, window_bounds = array<i64: 1, 64, 96>}, {pipeline_mode = #tpu.pipeline_mode<synchronous>, transform_indices = @transform_3, window_bounds = array<i64: 224, 256>}, {pipeline_mode = #tpu.pipeline_mode<synchronous>, transform_indices = @transform_4, window_bounds = array<i64: 1, 256>}, {pipeline_mode = #tpu.pipeline_mode<synchronous>, transform_indices = @transform_5, window_bounds = array<i64: 256, 64>}, {pipeline_mode = #tpu.pipeline_mode<synchronous>, transform_indices = @transform_6, window_bounds = array<i64: 1, 64>}, {pipeline_mode = #tpu.pipeline_mode<synchronous>, transform_indices = @transform_7, window_bounds = array<i64: 1, 64>}, {transform_indices = @transform_8, window_bounds = array<i64: 4, 16, 64>}, {transform_indices = @transform_9, window_bounds = array<i64: 4, 16, 64>}]} {
    %get3A = arith.constant 0 : index
    %get3A_0 = arith.constant 0 : index
    %get3A_1 = vector.load %arg8[%get3A, %get3A_0] : memref<1x64xf32, #tpu.memory_space<vmem>>, vector<1x64xf32>
    %get3A_2 = arith.constant 0 : index
    %get3A_3 = arith.constant 0 : index
    %get3A_4 = vector.load %arg2[%get3A_2, %get3A_3] : memref<16x32768xf32, #tpu.memory_space<vmem>>, vector<16x8192xf32>
    %reduce_max3A = arith.constant dense<0xFF800000> : vector<16xf32>
    %reduce_max3A_5 = vector.multi_reduction <maximumf>, %get3A_4, %reduce_max3A [1] : vector<16x8192xf32> to vector<16xf32>
    %broadcast_in_dim3A = vector.shape_cast %reduce_max3A_5 : vector<16xf32> to vector<16x1xf32>
    %iota3A = tpu.iota {dimensions = array<i32: 1>} : vector<16x8192xi32>
    %eq3A = vector.broadcast %broadcast_in_dim3A : vector<16x1xf32> to vector<16x8192xf32>
    %eq3A_6 = arith.cmpf oeq, %get3A_4, %eq3A : vector<16x8192xf32>
    %jit3A = arith.constant 8192 : i32
    %broadcast_in_dim3A_7 = vector.broadcast %jit3A : i32 to vector<16x8192xi32>
    %select_n3A = arith.select %eq3A_6, %iota3A, %broadcast_in_dim3A_7 : vector<16x8192xi1>, vector<16x8192xi32>
    %reduce_min3A = arith.constant dense<2147483647> : vector<16xi32>
    %reduce_min3A_8 = vector.multi_reduction <minsi>, %select_n3A, %reduce_min3A [1] : vector<16x8192xi32> to vector<16xi32>
    %broadcast_in_dim3A_9 = vector.shape_cast %reduce_min3A_8 : vector<16xi32> to vector<16x1xi32>
    %eq3A_10 = vector.broadcast %broadcast_in_dim3A_9 : vector<16x1xi32> to vector<16x8192xi32>
    %eq3A_11 = arith.cmpi eq, %iota3A, %eq3A_10 : vector<16x8192xi32>
    %convert_element_type3A = arith.extui %eq3A_11 : vector<16x8192xi1> to vector<16x8192xi32>
    %convert_element_type3A_12 = arith.sitofp %convert_element_type3A : vector<16x8192xi32> to vector<16x8192xf32>
    %get3A_13 = arith.constant 0 : index
    %get3A_14 = arith.constant 8192 : index
    %get3A_15 = vector.load %arg2[%get3A_13, %get3A_14] : memref<16x32768xf32, #tpu.memory_space<vmem>>, vector<16x8192xf32>
    %reduce_max3A_16 = arith.constant dense<0xFF800000> : vector<16xf32>
    %reduce_max3A_17 = vector.multi_reduction <maximumf>, %get3A_15, %reduce_max3A_16 [1] : vector<16x8192xf32> to vector<16xf32>
    %broadcast_in_dim3A_18 = vector.shape_cast %reduce_max3A_17 : vector<16xf32> to vector<16x1xf32>
    %iota3A_19 = tpu.iota {dimensions = array<i32: 1>} : vector<16x8192xi32>
    %eq3A_20 = vector.broadcast %broadcast_in_dim3A_18 : vector<16x1xf32> to vector<16x8192xf32>
    %eq3A_21 = arith.cmpf oeq, %get3A_15, %eq3A_20 : vector<16x8192xf32>
    %jit3A_22 = arith.constant 8192 : i32
    %broadcast_in_dim3A_23 = vector.broadcast %jit3A_22 : i32 to vector<16x8192xi32>
    %select_n3A_24 = arith.select %eq3A_21, %iota3A_19, %broadcast_in_dim3A_23 : vector<16x8192xi1>, vector<16x8192xi32>
    %reduce_min3A_25 = arith.constant dense<2147483647> : vector<16xi32>
    %reduce_min3A_26 = vector.multi_reduction <minsi>, %select_n3A_24, %reduce_min3A_25 [1] : vector<16x8192xi32> to vector<16xi32>
    %broadcast_in_dim3A_27 = vector.shape_cast %reduce_min3A_26 : vector<16xi32> to vector<16x1xi32>
    %eq3A_28 = vector.broadcast %broadcast_in_dim3A_27 : vector<16x1xi32> to vector<16x8192xi32>
    %eq3A_29 = arith.cmpi eq, %iota3A_19, %eq3A_28 : vector<16x8192xi32>
    %convert_element_type3A_30 = arith.extui %eq3A_29 : vector<16x8192xi1> to vector<16x8192xi32>
    %convert_element_type3A_31 = arith.sitofp %convert_element_type3A_30 : vector<16x8192xi32> to vector<16x8192xf32>
    %get3A_32 = arith.constant 0 : index
    %get3A_33 = arith.constant 16384 : index
    %get3A_34 = vector.load %arg2[%get3A_32, %get3A_33] : memref<16x32768xf32, #tpu.memory_space<vmem>>, vector<16x8192xf32>
    %reduce_max3A_35 = arith.constant dense<0xFF800000> : vector<16xf32>
    %reduce_max3A_36 = vector.multi_reduction <maximumf>, %get3A_34, %reduce_max3A_35 [1] : vector<16x8192xf32> to vector<16xf32>
    %broadcast_in_dim3A_37 = vector.shape_cast %reduce_max3A_36 : vector<16xf32> to vector<16x1xf32>
    %iota3A_38 = tpu.iota {dimensions = array<i32: 1>} : vector<16x8192xi32>
    %eq3A_39 = vector.broadcast %broadcast_in_dim3A_37 : vector<16x1xf32> to vector<16x8192xf32>
    %eq3A_40 = arith.cmpf oeq, %get3A_34, %eq3A_39 : vector<16x8192xf32>
    %jit3A_41 = arith.constant 8192 : i32
    %broadcast_in_dim3A_42 = vector.broadcast %jit3A_41 : i32 to vector<16x8192xi32>
    %select_n3A_43 = arith.select %eq3A_40, %iota3A_38, %broadcast_in_dim3A_42 : vector<16x8192xi1>, vector<16x8192xi32>
    %reduce_min3A_44 = arith.constant dense<2147483647> : vector<16xi32>
    %reduce_min3A_45 = vector.multi_reduction <minsi>, %select_n3A_43, %reduce_min3A_44 [1] : vector<16x8192xi32> to vector<16xi32>
    %broadcast_in_dim3A_46 = vector.shape_cast %reduce_min3A_45 : vector<16xi32> to vector<16x1xi32>
    %eq3A_47 = vector.broadcast %broadcast_in_dim3A_46 : vector<16x1xi32> to vector<16x8192xi32>
    %eq3A_48 = arith.cmpi eq, %iota3A_38, %eq3A_47 : vector<16x8192xi32>
    %convert_element_type3A_49 = arith.extui %eq3A_48 : vector<16x8192xi1> to vector<16x8192xi32>
    %convert_element_type3A_50 = arith.sitofp %convert_element_type3A_49 : vector<16x8192xi32> to vector<16x8192xf32>
    %get3A_51 = arith.constant 0 : index
    %get3A_52 = arith.constant 24576 : index
    %get3A_53 = vector.load %arg2[%get3A_51, %get3A_52] : memref<16x32768xf32, #tpu.memory_space<vmem>>, vector<16x8192xf32>
    %reduce_max3A_54 = arith.constant dense<0xFF800000> : vector<16xf32>
    %reduce_max3A_55 = vector.multi_reduction <maximumf>, %get3A_53, %reduce_max3A_54 [1] : vector<16x8192xf32> to vector<16xf32>
    %broadcast_in_dim3A_56 = vector.shape_cast %reduce_max3A_55 : vector<16xf32> to vector<16x1xf32>
    %iota3A_57 = tpu.iota {dimensions = array<i32: 1>} : vector<16x8192xi32>
    %eq3A_58 = vector.broadcast %broadcast_in_dim3A_56 : vector<16x1xf32> to vector<16x8192xf32>
    %eq3A_59 = arith.cmpf oeq, %get3A_53, %eq3A_58 : vector<16x8192xf32>
    %jit3A_60 = arith.constant 8192 : i32
    %broadcast_in_dim3A_61 = vector.broadcast %jit3A_60 : i32 to vector<16x8192xi32>
    %select_n3A_62 = arith.select %eq3A_59, %iota3A_57, %broadcast_in_dim3A_61 : vector<16x8192xi1>, vector<16x8192xi32>
    %reduce_min3A_63 = arith.constant dense<2147483647> : vector<16xi32>
    %reduce_min3A_64 = vector.multi_reduction <minsi>, %select_n3A_62, %reduce_min3A_63 [1] : vector<16x8192xi32> to vector<16xi32>
    %broadcast_in_dim3A_65 = vector.shape_cast %reduce_min3A_64 : vector<16xi32> to vector<16x1xi32>
    %eq3A_66 = vector.broadcast %broadcast_in_dim3A_65 : vector<16x1xi32> to vector<16x8192xi32>
    %eq3A_67 = arith.cmpi eq, %iota3A_57, %eq3A_66 : vector<16x8192xi32>
    %convert_element_type3A_68 = arith.extui %eq3A_67 : vector<16x8192xi1> to vector<16x8192xi32>
    %convert_element_type3A_69 = arith.sitofp %convert_element_type3A_68 : vector<16x8192xi32> to vector<16x8192xf32>
    %concatenate3A = tpu.concatenate %convert_element_type3A_12, %convert_element_type3A_31, %convert_element_type3A_50, %convert_element_type3A_69 in 0 : vector<16x8192xf32>, vector<16x8192xf32>, vector<16x8192xf32>, vector<16x8192xf32> -> vector<64x8192xf32>
    %get3A_70 = arith.constant 0 : index
    %get3A_71 = arith.constant 0 : index
    %get3A_72 = vector.load %arg1[%get3A_70, %get3A_71] : memref<8192x64xf32, #tpu.memory_space<vmem>>, vector<8192x64xf32>
    %dot_general3A = arith.constant dense<0.000000e+00> : vector<64x64xf32>
    %dot_general3A_73 = tpu.matmul %concatenate3A, %get3A_72, %dot_general3A {dimension_numbers = #tpu.dot_dimension_numbers<[1], [0], [0], [1], [0, 0, 1, 1], [], []>, transpose_lhs_hint = false} : vector<64x8192xf32>, vector<8192x64xf32>, vector<64x64xf32> -> vector<64x64xf32>
    %broadcast_in_dim3A_74 = vector.shape_cast %get3A_1 : vector<1x64xf32> to vector<1x64xf32>
    %broadcast_in_dim3A_75 = vector.broadcast %broadcast_in_dim3A_74 : vector<1x64xf32> to vector<64x64xf32>
    %get3A_76 = arith.constant 0 : index
    %get3A_77 = arith.constant 0 : index
    %get3A_78 = arith.constant 0 : index
    %get3A_79 = vector.load %arg3[%get3A_76, %get3A_77, %get3A_78] : memref<1x64x96xf32, #tpu.memory_space<vmem>>, vector<1x64x96xf32>
    %get3A_80 = vector.shape_cast %get3A_79 : vector<1x64x96xf32> to vector<64x96xf32>
    %concatenate3A_81 = tpu.concatenate %dot_general3A_73, %broadcast_in_dim3A_75, %get3A_80 in 1 : vector<64x64xf32>, vector<64x64xf32>, vector<64x96xf32> -> vector<64x224xf32>
    %get3A_82 = arith.constant 0 : index
    %get3A_83 = arith.constant 0 : index
    %get3A_84 = vector.load %arg4[%get3A_82, %get3A_83] : memref<224x256xf32, #tpu.memory_space<vmem>>, vector<224x256xf32>
    %get3A_85 = arith.constant 0 : index
    %get3A_86 = arith.constant 0 : index
    %get3A_87 = vector.load %arg5[%get3A_85, %get3A_86] : memref<1x256xf32, #tpu.memory_space<vmem>>, vector<1x256xf32>
    %get3A_88 = arith.constant 0 : index
    %get3A_89 = arith.constant 0 : index
    %get3A_90 = vector.load %arg6[%get3A_88, %get3A_89] : memref<256x64xf32, #tpu.memory_space<vmem>>, vector<256x64xf32>
    %get3A_91 = arith.constant 0 : index
    %get3A_92 = arith.constant 0 : index
    %get3A_93 = vector.load %arg7[%get3A_91, %get3A_92] : memref<1x64xf32, #tpu.memory_space<vmem>>, vector<1x64xf32>
    %dot_general3A_94 = arith.constant dense<0.000000e+00> : vector<64x256xf32>
    %dot_general3A_95 = tpu.matmul %concatenate3A_81, %get3A_84, %dot_general3A_94 {dimension_numbers = #tpu.dot_dimension_numbers<[1], [0], [0], [1], [0, 0, 1, 1], [], []>, transpose_lhs_hint = false} : vector<64x224xf32>, vector<224x256xf32>, vector<64x256xf32> -> vector<64x256xf32>
    %add3A = vector.broadcast %get3A_87 : vector<1x256xf32> to vector<64x256xf32>
    %add3A_96 = arith.addf %dot_general3A_95, %add3A : vector<64x256xf32>
    %max3A = arith.constant 0.000000e+00 : f32
    %max3A_97 = vector.broadcast %max3A : f32 to vector<64x256xf32>
    %max3A_98 = arith.maximumf %add3A_96, %max3A_97 : vector<64x256xf32>
    %dot_general3A_99 = arith.constant dense<0.000000e+00> : vector<64x64xf32>
    %dot_general3A_100 = tpu.matmul %max3A_98, %get3A_90, %dot_general3A_99 {dimension_numbers = #tpu.dot_dimension_numbers<[1], [0], [0], [1], [0, 0, 1, 1], [], []>, transpose_lhs_hint = false} : vector<64x256xf32>, vector<256x64xf32>, vector<64x64xf32> -> vector<64x64xf32>
    %add3A_101 = vector.broadcast %get3A_93 : vector<1x64xf32> to vector<64x64xf32>
    %add3A_102 = arith.addf %dot_general3A_100, %add3A_101 : vector<64x64xf32>
    %slice3A = vector.extract_strided_slice %add3A_102 {offsets = [0, 0], sizes = [16, 64], strides = [1, 1]} : vector<64x64xf32> to vector<16x64xf32>
    %swap3A = arith.constant 0 : index
    %swap3A_103 = arith.constant 0 : index
    %swap3A_104 = arith.constant 0 : index
    %swap3A_105 = vector.load %arg9[%swap3A, %swap3A_103, %swap3A_104] : memref<4x16x64xf32, #tpu.memory_space<vmem>>, vector<1x16x64xf32>
    %swap3A_106 = vector.shape_cast %swap3A_105 : vector<1x16x64xf32> to vector<16x64xf32>
    %swap3A_107 = vector.shape_cast %slice3A : vector<16x64xf32> to vector<1x16x64xf32>
    tpu.vector_store %arg9[%swap3A, %swap3A_103, %swap3A_104], %swap3A_107 {strides = array<i32>} : memref<4x16x64xf32, #tpu.memory_space<vmem>>, vector<1x16x64xf32>,
    %broadcast_in_dim3A_108 = vector.shape_cast %get3A_1 : vector<1x64xf32> to vector<1x64xf32>
    %broadcast_in_dim3A_109 = vector.broadcast %broadcast_in_dim3A_108 : vector<1x64xf32> to vector<16x64xf32>
    %swap3A_110 = arith.constant 0 : index
    %swap3A_111 = arith.constant 0 : index
    %swap3A_112 = arith.constant 0 : index
    %swap3A_113 = vector.load %arg10[%swap3A_110, %swap3A_111, %swap3A_112] : memref<4x16x64xf32, #tpu.memory_space<vmem>>, vector<1x16x64xf32>
    %swap3A_114 = vector.shape_cast %swap3A_113 : vector<1x16x64xf32> to vector<16x64xf32>
    %swap3A_115 = vector.shape_cast %broadcast_in_dim3A_109 : vector<16x64xf32> to vector<1x16x64xf32>
    tpu.vector_store %arg10[%swap3A_110, %swap3A_111, %swap3A_112], %swap3A_115 {strides = array<i32>} : memref<4x16x64xf32, #tpu.memory_space<vmem>>, vector<1x16x64xf32>,
    %slice3A_116 = vector.extract_strided_slice %add3A_102 {offsets = [16, 0], sizes = [16, 64], strides = [1, 1]} : vector<64x64xf32> to vector<16x64xf32>
    %swap3A_117 = arith.constant 1 : index
    %swap3A_118 = arith.constant 0 : index
    %swap3A_119 = arith.constant 0 : index
    %swap3A_120 = vector.load %arg9[%swap3A_117, %swap3A_118, %swap3A_119] : memref<4x16x64xf32, #tpu.memory_space<vmem>>, vector<1x16x64xf32>
    %swap3A_121 = vector.shape_cast %swap3A_120 : vector<1x16x64xf32> to vector<16x64xf32>
    %swap3A_122 = vector.shape_cast %slice3A_116 : vector<16x64xf32> to vector<1x16x64xf32>
    tpu.vector_store %arg9[%swap3A_117, %swap3A_118, %swap3A_119], %swap3A_122 {strides = array<i32>} : memref<4x16x64xf32, #tpu.memory_space<vmem>>, vector<1x16x64xf32>,
    %broadcast_in_dim3A_123 = vector.shape_cast %get3A_1 : vector<1x64xf32> to vector<1x64xf32>
    %broadcast_in_dim3A_124 = vector.broadcast %broadcast_in_dim3A_123 : vector<1x64xf32> to vector<16x64xf32>
    %swap3A_125 = arith.constant 1 : index
    %swap3A_126 = arith.constant 0 : index
    %swap3A_127 = arith.constant 0 : index
    %swap3A_128 = vector.load %arg10[%swap3A_125, %swap3A_126, %swap3A_127] : memref<4x16x64xf32, #tpu.memory_space<vmem>>, vector<1x16x64xf32>
    %swap3A_129 = vector.shape_cast %swap3A_128 : vector<1x16x64xf32> to vector<16x64xf32>
    %swap3A_130 = vector.shape_cast %broadcast_in_dim3A_124 : vector<16x64xf32> to vector<1x16x64xf32>
    tpu.vector_store %arg10[%swap3A_125, %swap3A_126, %swap3A_127], %swap3A_130 {strides = array<i32>} : memref<4x16x64xf32, #tpu.memory_space<vmem>>, vector<1x16x64xf32>,
    %slice3A_131 = vector.extract_strided_slice %add3A_102 {offsets = [32, 0], sizes = [16, 64], strides = [1, 1]} : vector<64x64xf32> to vector<16x64xf32>
    %swap3A_132 = arith.constant 2 : index
    %swap3A_133 = arith.constant 0 : index
    %swap3A_134 = arith.constant 0 : index
    %swap3A_135 = vector.load %arg9[%swap3A_132, %swap3A_133, %swap3A_134] : memref<4x16x64xf32, #tpu.memory_space<vmem>>, vector<1x16x64xf32>
    %swap3A_136 = vector.shape_cast %swap3A_135 : vector<1x16x64xf32> to vector<16x64xf32>
    %swap3A_137 = vector.shape_cast %slice3A_131 : vector<16x64xf32> to vector<1x16x64xf32>
    tpu.vector_store %arg9[%swap3A_132, %swap3A_133, %swap3A_134], %swap3A_137 {strides = array<i32>} : memref<4x16x64xf32, #tpu.memory_space<vmem>>, vector<1x16x64xf32>,
    %broadcast_in_dim3A_138 = vector.shape_cast %get3A_1 : vector<1x64xf32> to vector<1x64xf32>
    %broadcast_in_dim3A_139 = vector.broadcast %broadcast_in_dim3A_138 : vector<1x64xf32> to vector<16x64xf32>
    %swap3A_140 = arith.constant 2 : index
    %swap3A_141 = arith.constant 0 : index
    %swap3A_142 = arith.constant 0 : index
    %swap3A_143 = vector.load %arg10[%swap3A_140, %swap3A_141, %swap3A_142] : memref<4x16x64xf32, #tpu.memory_space<vmem>>, vector<1x16x64xf32>
    %swap3A_144 = vector.shape_cast %swap3A_143 : vector<1x16x64xf32> to vector<16x64xf32>
    %swap3A_145 = vector.shape_cast %broadcast_in_dim3A_139 : vector<16x64xf32> to vector<1x16x64xf32>
    tpu.vector_store %arg10[%swap3A_140, %swap3A_141, %swap3A_142], %swap3A_145 {strides = array<i32>} : memref<4x16x64xf32, #tpu.memory_space<vmem>>, vector<1x16x64xf32>,
    %slice3A_146 = vector.extract_strided_slice %add3A_102 {offsets = [48, 0], sizes = [16, 64], strides = [1, 1]} : vector<64x64xf32> to vector<16x64xf32>
    %swap3A_147 = arith.constant 3 : index
    %swap3A_148 = arith.constant 0 : index
    %swap3A_149 = arith.constant 0 : index
    %swap3A_150 = vector.load %arg9[%swap3A_147, %swap3A_148, %swap3A_149] : memref<4x16x64xf32, #tpu.memory_space<vmem>>, vector<1x16x64xf32>
    %swap3A_151 = vector.shape_cast %swap3A_150 : vector<1x16x64xf32> to vector<16x64xf32>
    %swap3A_152 = vector.shape_cast %slice3A_146 : vector<16x64xf32> to vector<1x16x64xf32>
    tpu.vector_store %arg9[%swap3A_147, %swap3A_148, %swap3A_149], %swap3A_152 {strides = array<i32>} : memref<4x16x64xf32, #tpu.memory_space<vmem>>, vector<1x16x64xf32>,
    %broadcast_in_dim3A_153 = vector.shape_cast %get3A_1 : vector<1x64xf32> to vector<1x64xf32>
    %broadcast_in_dim3A_154 = vector.broadcast %broadcast_in_dim3A_153 : vector<1x64xf32> to vector<16x64xf32>
    %swap3A_155 = arith.constant 3 : index
    %swap3A_156 = arith.constant 0 : index
    %swap3A_157 = arith.constant 0 : index
    %swap3A_158 = vector.load %arg10[%swap3A_155, %swap3A_156, %swap3A_157] : memref<4x16x64xf32, #tpu.memory_space<vmem>>, vector<1x16x64xf32>
    %swap3A_159 = vector.shape_cast %swap3A_158 : vector<1x16x64xf32> to vector<16x64xf32>
    %swap3A_160 = vector.shape_cast %broadcast_in_dim3A_154 : vector<16x64xf32> to vector<1x16x64xf32>
    tpu.vector_store %arg10[%swap3A_155, %swap3A_156, %swap3A_157], %swap3A_160 {strides = array<i32>} : memref<4x16x64xf32, #tpu.memory_space<vmem>>, vector<1x16x64xf32>,
    return
  }
  func.func @transform_0(%arg0: i32) -> (i32, i32) {
    %c0_i32 = arith.constant 0 : i32
    %c0_i32_0 = arith.constant 0 : i32
    %c0_i32_1 = arith.constant 0 : i32
    return %c0_i32, %c0_i32_0 : i32, i32
  }
  func.func @transform_1(%arg0: i32) -> (i32, i32) {
    %c0_i32 = arith.constant 0 : i32
    %c0_i32_0 = arith.constant 0 : i32
    return %c0_i32, %arg0 : i32, i32
  }
  func.func @transform_2(%arg0: i32) -> (i32, i32, i32) {
    %c0_i32 = arith.constant 0 : i32
    %c0_i32_0 = arith.constant 0 : i32
    %c0_i32_1 = arith.constant 0 : i32
    return %arg0, %c0_i32, %c0_i32_0 : i32, i32, i32
  }
  func.func @transform_3(%arg0: i32) -> (i32, i32) {
    %c0_i32 = arith.constant 0 : i32
    %c0_i32_0 = arith.constant 0 : i32
    %c0_i32_1 = arith.constant 0 : i32
    return %c0_i32, %c0_i32_0 : i32, i32
  }
  func.func @transform_4(%arg0: i32) -> (i32, i32) {
    %c0_i32 = arith.constant 0 : i32
    %c0_i32_0 = arith.constant 0 : i32
    %c0_i32_1 = arith.constant 0 : i32
    return %c0_i32, %c0_i32_0 : i32, i32
  }
  func.func @transform_5(%arg0: i32) -> (i32, i32) {
    %c0_i32 = arith.constant 0 : i32
    %c0_i32_0 = arith.constant 0 : i32
    %c0_i32_1 = arith.constant 0 : i32
    return %c0_i32, %c0_i32_0 : i32, i32
  }
  func.func @transform_6(%arg0: i32) -> (i32, i32) {
    %c0_i32 = arith.constant 0 : i32
    %c0_i32_0 = arith.constant 0 : i32
    %c0_i32_1 = arith.constant 0 : i32
    return %c0_i32, %c0_i32_0 : i32, i32
  }
  func.func @transform_7(%arg0: i32) -> (i32, i32) {
    %c0_i32 = arith.constant 0 : i32
    %c0_i32_0 = arith.constant 0 : i32
    %c0_i32_1 = arith.constant 0 : i32
    return %c0_i32, %c0_i32_0 : i32, i32
  }
  func.func @transform_8(%arg0: i32) -> (i32, i32, i32) {
    %c0_i32 = arith.constant 0 : i32
    %c0_i32_0 = arith.constant 0 : i32
    %c0_i32_1 = arith.constant 0 : i32
    return %arg0, %c0_i32, %c0_i32_0 : i32, i32, i32
  }
  func.func @transform_9(%arg0: i32) -> (i32, i32, i32) {
    %c0_i32 = arith.constant 0 : i32
    %c0_i32_0 = arith.constant 0 : i32
    %c0_i32_1 = arith.constant 0 : i32
    return %arg0, %c0_i32, %c0_i32_0 : i32, i32, i32
  }
}

module attributes {stable_mosaic.version = 14 : i64} {
  func.func @_step_body(%arg0: i32, %arg1: memref<64x8192xf32, #tpu.memory_space<vmem>>, %arg2: memref<8192x64xf32, #tpu.memory_space<vmem>>, %arg3: memref<16x32768xf32, #tpu.memory_space<vmem>>, %arg4: memref<4x64x32xf32, #tpu.memory_space<vmem>>, %arg5: memref<4x16x64xf32, #tpu.memory_space<vmem>>, %arg6: memref<4x16x64xf32, #tpu.memory_space<vmem>>, %arg7: memref<1x64x96xf32, #tpu.memory_space<vmem>>, %arg8: memref<224x256xf32, #tpu.memory_space<vmem>>, %arg9: memref<1x256xf32, #tpu.memory_space<vmem>>, %arg10: memref<256x64xf32, #tpu.memory_space<vmem>>, %arg11: memref<1x64xf32, #tpu.memory_space<vmem>>, %arg12: memref<4x16x64xf32, #tpu.memory_space<vmem>>, %arg13: memref<4x16x64xf32, #tpu.memory_space<vmem>>, %arg14: memref<4x8192xf32, #tpu.memory_space<vmem>>) attributes {dimension_semantics = [#tpu.dimension_semantics<arbitrary>], iteration_bounds = array<i64: 8>, scalar_prefetch = 0 : i64, scratch_operands = 1 : i64, tpu.core_type = #tpu.core_type<tc>, window_params = [{pipeline_mode = #tpu.pipeline_mode<synchronous>, transform_indices = @transform_0, window_bounds = array<i64: 64, 8192>}, {pipeline_mode = #tpu.pipeline_mode<synchronous>, transform_indices = @transform_1, window_bounds = array<i64: 8192, 64>}, {transform_indices = @transform_2, window_bounds = array<i64: 16, 32768>}, {transform_indices = @transform_3, window_bounds = array<i64: 4, 64, 32>}, {transform_indices = @transform_4, window_bounds = array<i64: 4, 16, 64>}, {transform_indices = @transform_5, window_bounds = array<i64: 4, 16, 64>}, {transform_indices = @transform_6, window_bounds = array<i64: 1, 64, 96>}, {pipeline_mode = #tpu.pipeline_mode<synchronous>, transform_indices = @transform_7, window_bounds = array<i64: 224, 256>}, {pipeline_mode = #tpu.pipeline_mode<synchronous>, transform_indices = @transform_8, window_bounds = array<i64: 1, 256>}, {pipeline_mode = #tpu.pipeline_mode<synchronous>, transform_indices = @transform_9, window_bounds = array<i64: 256, 64>}, {pipeline_mode = #tpu.pipeline_mode<synchronous>, transform_indices = @transform_10, window_bounds = array<i64: 1, 64>}, {transform_indices = @transform_11, window_bounds = array<i64: 4, 16, 64>}, {transform_indices = @transform_12, window_bounds = array<i64: 4, 16, 64>}]} {
    %get3A = arith.constant 0 : index
    %get3A_0 = arith.constant 0 : index
    %get3A_1 = vector.load %arg1[%get3A, %get3A_0] : memref<64x8192xf32, #tpu.memory_space<vmem>>, vector<64x8192xf32>
    %get3A_2 = arith.constant 0 : index
    %get3A_3 = arith.constant 0 : index
    %get3A_4 = arith.constant 0 : index
    %get3A_5 = vector.load %arg5[%get3A_2, %get3A_3, %get3A_4] : memref<4x16x64xf32, #tpu.memory_space<vmem>>, vector<1x16x64xf32>
    %get3A_6 = vector.shape_cast %get3A_5 : vector<1x16x64xf32> to vector<16x64xf32>
    %get3A_7 = arith.constant 0 : index
    %get3A_8 = arith.constant 0 : index
    %get3A_9 = arith.constant 0 : index
    %get3A_10 = vector.load %arg6[%get3A_7, %get3A_8, %get3A_9] : memref<4x16x64xf32, #tpu.memory_space<vmem>>, vector<1x16x64xf32>
    %get3A_11 = vector.shape_cast %get3A_10 : vector<1x16x64xf32> to vector<16x64xf32>
    %dot_general3A = arith.constant dense<0.000000e+00> : vector<64x64xf32>
    %dot_general3A_12 = tpu.matmul %get3A_11, %get3A_6, %dot_general3A {dimension_numbers = #tpu.dot_dimension_numbers<[0], [0], [1], [1], [0, 1, 1, 1], [], []>, transpose_lhs_hint = false} : vector<16x64xf32>, vector<16x64xf32>, vector<64x64xf32> -> vector<64x64xf32>
    %mul3A = arith.constant 9.765625E-4 : f32
    %mul3A_13 = vector.broadcast %mul3A : f32 to vector<64x64xf32>
    %mul3A_14 = arith.mulf %dot_general3A_12, %mul3A_13 : vector<64x64xf32>
    %get3A_15 = arith.constant 1 : index
    %get3A_16 = arith.constant 0 : index
    %get3A_17 = arith.constant 0 : index
    %get3A_18 = vector.load %arg5[%get3A_15, %get3A_16, %get3A_17] : memref<4x16x64xf32, #tpu.memory_space<vmem>>, vector<1x16x64xf32>
    %get3A_19 = vector.shape_cast %get3A_18 : vector<1x16x64xf32> to vector<16x64xf32>
    %get3A_20 = arith.constant 1 : index
    %get3A_21 = arith.constant 0 : index
    %get3A_22 = arith.constant 0 : index
    %get3A_23 = vector.load %arg6[%get3A_20, %get3A_21, %get3A_22] : memref<4x16x64xf32, #tpu.memory_space<vmem>>, vector<1x16x64xf32>
    %get3A_24 = vector.shape_cast %get3A_23 : vector<1x16x64xf32> to vector<16x64xf32>
    %dot_general3A_25 = arith.constant dense<0.000000e+00> : vector<64x64xf32>
    %dot_general3A_26 = tpu.matmul %get3A_24, %get3A_19, %dot_general3A_25 {dimension_numbers = #tpu.dot_dimension_numbers<[0], [0], [1], [1], [0, 1, 1, 1], [], []>, transpose_lhs_hint = false} : vector<16x64xf32>, vector<16x64xf32>, vector<64x64xf32> -> vector<64x64xf32>
    %mul3A_27 = arith.constant 9.765625E-4 : f32
    %mul3A_28 = vector.broadcast %mul3A_27 : f32 to vector<64x64xf32>
    %mul3A_29 = arith.mulf %dot_general3A_26, %mul3A_28 : vector<64x64xf32>
    %get3A_30 = arith.constant 2 : index
    %get3A_31 = arith.constant 0 : index
    %get3A_32 = arith.constant 0 : index
    %get3A_33 = vector.load %arg5[%get3A_30, %get3A_31, %get3A_32] : memref<4x16x64xf32, #tpu.memory_space<vmem>>, vector<1x16x64xf32>
    %get3A_34 = vector.shape_cast %get3A_33 : vector<1x16x64xf32> to vector<16x64xf32>
    %get3A_35 = arith.constant 2 : index
    %get3A_36 = arith.constant 0 : index
    %get3A_37 = arith.constant 0 : index
    %get3A_38 = vector.load %arg6[%get3A_35, %get3A_36, %get3A_37] : memref<4x16x64xf32, #tpu.memory_space<vmem>>, vector<1x16x64xf32>
    %get3A_39 = vector.shape_cast %get3A_38 : vector<1x16x64xf32> to vector<16x64xf32>
    %dot_general3A_40 = arith.constant dense<0.000000e+00> : vector<64x64xf32>
    %dot_general3A_41 = tpu.matmul %get3A_39, %get3A_34, %dot_general3A_40 {dimension_numbers = #tpu.dot_dimension_numbers<[0], [0], [1], [1], [0, 1, 1, 1], [], []>, transpose_lhs_hint = false} : vector<16x64xf32>, vector<16x64xf32>, vector<64x64xf32> -> vector<64x64xf32>
    %mul3A_42 = arith.constant 9.765625E-4 : f32
    %mul3A_43 = vector.broadcast %mul3A_42 : f32 to vector<64x64xf32>
    %mul3A_44 = arith.mulf %dot_general3A_41, %mul3A_43 : vector<64x64xf32>
    %get3A_45 = arith.constant 3 : index
    %get3A_46 = arith.constant 0 : index
    %get3A_47 = arith.constant 0 : index
    %get3A_48 = vector.load %arg5[%get3A_45, %get3A_46, %get3A_47] : memref<4x16x64xf32, #tpu.memory_space<vmem>>, vector<1x16x64xf32>
    %get3A_49 = vector.shape_cast %get3A_48 : vector<1x16x64xf32> to vector<16x64xf32>
    %get3A_50 = arith.constant 3 : index
    %get3A_51 = arith.constant 0 : index
    %get3A_52 = arith.constant 0 : index
    %get3A_53 = vector.load %arg6[%get3A_50, %get3A_51, %get3A_52] : memref<4x16x64xf32, #tpu.memory_space<vmem>>, vector<1x16x64xf32>
    %get3A_54 = vector.shape_cast %get3A_53 : vector<1x16x64xf32> to vector<16x64xf32>
    %dot_general3A_55 = arith.constant dense<0.000000e+00> : vector<64x64xf32>
    %dot_general3A_56 = tpu.matmul %get3A_54, %get3A_49, %dot_general3A_55 {dimension_numbers = #tpu.dot_dimension_numbers<[0], [0], [1], [1], [0, 1, 1, 1], [], []>, transpose_lhs_hint = false} : vector<16x64xf32>, vector<16x64xf32>, vector<64x64xf32> -> vector<64x64xf32>
    %mul3A_57 = arith.constant 9.765625E-4 : f32
    %mul3A_58 = vector.broadcast %mul3A_57 : f32 to vector<64x64xf32>
    %mul3A_59 = arith.mulf %dot_general3A_56, %mul3A_58 : vector<64x64xf32>
    %concatenate3A = tpu.concatenate %mul3A_14, %mul3A_29, %mul3A_44, %mul3A_59 in 0 : vector<64x64xf32>, vector<64x64xf32>, vector<64x64xf32>, vector<64x64xf32> -> vector<256x64xf32>
    %broadcast_in_dim3A = arith.constant 1.000000e+00 : f32
    %broadcast_in_dim3A_60 = vector.broadcast %broadcast_in_dim3A : f32 to vector<1x64xf32>
    %broadcast_in_dim3A_61 = arith.constant 0.000000e+00 : f32
    %broadcast_in_dim3A_62 = vector.broadcast %broadcast_in_dim3A_61 : f32 to vector<256x2048xf32>
    %slice3A = vector.extract_strided_slice %get3A_1 {offsets = [0, 0], sizes = [64, 2048], strides = [1, 1]} : vector<64x8192xf32> to vector<64x2048xf32>
    %dot_general3A_63 = arith.constant dense<0.000000e+00> : vector<256x2048xf32>
    %dot_general3A_64 = tpu.matmul %concatenate3A, %slice3A, %dot_general3A_63 {dimension_numbers = #tpu.dot_dimension_numbers<[1], [0], [0], [1], [0, 0, 1, 1], [], []>, transpose_lhs_hint = false} : vector<256x64xf32>, vector<64x2048xf32>, vector<256x2048xf32> -> vector<256x2048xf32>
    %max3A = arith.constant 0.000000e+00 : f32
    %max3A_65 = vector.broadcast %max3A : f32 to vector<256x2048xf32>
    %max3A_66 = arith.maximumf %dot_general3A_64, %max3A_65 : vector<256x2048xf32>
    %slice3A_67 = vector.extract_strided_slice %max3A_66 {offsets = [0, 0], sizes = [64, 2048], strides = [1, 1]} : vector<256x2048xf32> to vector<64x2048xf32>
    %dot_general3A_68 = arith.constant dense<0.000000e+00> : vector<1x2048xf32>
    %dot_general3A_69 = tpu.matmul %broadcast_in_dim3A_60, %slice3A_67, %dot_general3A_68 {dimension_numbers = #tpu.dot_dimension_numbers<[1], [0], [0], [1], [0, 0, 1, 1], [], []>, transpose_lhs_hint = false} : vector<1x64xf32>, vector<64x2048xf32>, vector<1x2048xf32> -> vector<1x2048xf32>
    %swap3A = arith.constant 0 : index
    %swap3A_70 = arith.constant 0 : index
    %swap3A_71 = vector.load %arg14[%swap3A, %swap3A_70] : memref<4x8192xf32, #tpu.memory_space<vmem>>, vector<1x2048xf32>
    tpu.vector_store %arg14[%swap3A, %swap3A_70], %dot_general3A_69 {strides = array<i32>} : memref<4x8192xf32, #tpu.memory_space<vmem>>, vector<1x2048xf32>,
    %slice3A_72 = vector.extract_strided_slice %max3A_66 {offsets = [64, 0], sizes = [64, 2048], strides = [1, 1]} : vector<256x2048xf32> to vector<64x2048xf32>
    %dot_general3A_73 = arith.constant dense<0.000000e+00> : vector<1x2048xf32>
    %dot_general3A_74 = tpu.matmul %broadcast_in_dim3A_60, %slice3A_72, %dot_general3A_73 {dimension_numbers = #tpu.dot_dimension_numbers<[1], [0], [0], [1], [0, 0, 1, 1], [], []>, transpose_lhs_hint = false} : vector<1x64xf32>, vector<64x2048xf32>, vector<1x2048xf32> -> vector<1x2048xf32>
    %swap3A_75 = arith.constant 1 : index
    %swap3A_76 = arith.constant 0 : index
    %swap3A_77 = vector.load %arg14[%swap3A_75, %swap3A_76] : memref<4x8192xf32, #tpu.memory_space<vmem>>, vector<1x2048xf32>
    tpu.vector_store %arg14[%swap3A_75, %swap3A_76], %dot_general3A_74 {strides = array<i32>} : memref<4x8192xf32, #tpu.memory_space<vmem>>, vector<1x2048xf32>,
    %slice3A_78 = vector.extract_strided_slice %max3A_66 {offsets = [128, 0], sizes = [64, 2048], strides = [1, 1]} : vector<256x2048xf32> to vector<64x2048xf32>
    %dot_general3A_79 = arith.constant dense<0.000000e+00> : vector<1x2048xf32>
    %dot_general3A_80 = tpu.matmul %broadcast_in_dim3A_60, %slice3A_78, %dot_general3A_79 {dimension_numbers = #tpu.dot_dimension_numbers<[1], [0], [0], [1], [0, 0, 1, 1], [], []>, transpose_lhs_hint = false} : vector<1x64xf32>, vector<64x2048xf32>, vector<1x2048xf32> -> vector<1x2048xf32>
    %swap3A_81 = arith.constant 2 : index
    %swap3A_82 = arith.constant 0 : index
    %swap3A_83 = vector.load %arg14[%swap3A_81, %swap3A_82] : memref<4x8192xf32, #tpu.memory_space<vmem>>, vector<1x2048xf32>
    tpu.vector_store %arg14[%swap3A_81, %swap3A_82], %dot_general3A_80 {strides = array<i32>} : memref<4x8192xf32, #tpu.memory_space<vmem>>, vector<1x2048xf32>,
    %slice3A_84 = vector.extract_strided_slice %max3A_66 {offsets = [192, 0], sizes = [64, 2048], strides = [1, 1]} : vector<256x2048xf32> to vector<64x2048xf32>
    %dot_general3A_85 = arith.constant dense<0.000000e+00> : vector<1x2048xf32>
    %dot_general3A_86 = tpu.matmul %broadcast_in_dim3A_60, %slice3A_84, %dot_general3A_85 {dimension_numbers = #tpu.dot_dimension_numbers<[1], [0], [0], [1], [0, 0, 1, 1], [], []>, transpose_lhs_hint = false} : vector<1x64xf32>, vector<64x2048xf32>, vector<1x2048xf32> -> vector<1x2048xf32>
    %swap3A_87 = arith.constant 3 : index
    %swap3A_88 = arith.constant 0 : index
    %swap3A_89 = vector.load %arg14[%swap3A_87, %swap3A_88] : memref<4x8192xf32, #tpu.memory_space<vmem>>, vector<1x2048xf32>
    tpu.vector_store %arg14[%swap3A_87, %swap3A_88], %dot_general3A_86 {strides = array<i32>} : memref<4x8192xf32, #tpu.memory_space<vmem>>, vector<1x2048xf32>,
    %add3A = arith.addf %broadcast_in_dim3A_62, %max3A_66 : vector<256x2048xf32>
    %slice3A_90 = vector.extract_strided_slice %get3A_1 {offsets = [0, 2048], sizes = [64, 2048], strides = [1, 1]} : vector<64x8192xf32> to vector<64x2048xf32>
    %dot_general3A_91 = arith.constant dense<0.000000e+00> : vector<256x2048xf32>
    %dot_general3A_92 = tpu.matmul %concatenate3A, %slice3A_90, %dot_general3A_91 {dimension_numbers = #tpu.dot_dimension_numbers<[1], [0], [0], [1], [0, 0, 1, 1], [], []>, transpose_lhs_hint = false} : vector<256x64xf32>, vector<64x2048xf32>, vector<256x2048xf32> -> vector<256x2048xf32>
    %max3A_93 = arith.constant 0.000000e+00 : f32
    %max3A_94 = vector.broadcast %max3A_93 : f32 to vector<256x2048xf32>
    %max3A_95 = arith.maximumf %dot_general3A_92, %max3A_94 : vector<256x2048xf32>
    %slice3A_96 = vector.extract_strided_slice %max3A_95 {offsets = [0, 0], sizes = [64, 2048], strides = [1, 1]} : vector<256x2048xf32> to vector<64x2048xf32>
    %dot_general3A_97 = arith.constant dense<0.000000e+00> : vector<1x2048xf32>
    %dot_general3A_98 = tpu.matmul %broadcast_in_dim3A_60, %slice3A_96, %dot_general3A_97 {dimension_numbers = #tpu.dot_dimension_numbers<[1], [0], [0], [1], [0, 0, 1, 1], [], []>, transpose_lhs_hint = false} : vector<1x64xf32>, vector<64x2048xf32>, vector<1x2048xf32> -> vector<1x2048xf32>
    %swap3A_99 = arith.constant 0 : index
    %swap3A_100 = arith.constant 2048 : index
    %swap3A_101 = vector.load %arg14[%swap3A_99, %swap3A_100] : memref<4x8192xf32, #tpu.memory_space<vmem>>, vector<1x2048xf32>
    tpu.vector_store %arg14[%swap3A_99, %swap3A_100], %dot_general3A_98 {strides = array<i32>} : memref<4x8192xf32, #tpu.memory_space<vmem>>, vector<1x2048xf32>,
    %slice3A_102 = vector.extract_strided_slice %max3A_95 {offsets = [64, 0], sizes = [64, 2048], strides = [1, 1]} : vector<256x2048xf32> to vector<64x2048xf32>
    %dot_general3A_103 = arith.constant dense<0.000000e+00> : vector<1x2048xf32>
    %dot_general3A_104 = tpu.matmul %broadcast_in_dim3A_60, %slice3A_102, %dot_general3A_103 {dimension_numbers = #tpu.dot_dimension_numbers<[1], [0], [0], [1], [0, 0, 1, 1], [], []>, transpose_lhs_hint = false} : vector<1x64xf32>, vector<64x2048xf32>, vector<1x2048xf32> -> vector<1x2048xf32>
    %swap3A_105 = arith.constant 1 : index
    %swap3A_106 = arith.constant 2048 : index
    %swap3A_107 = vector.load %arg14[%swap3A_105, %swap3A_106] : memref<4x8192xf32, #tpu.memory_space<vmem>>, vector<1x2048xf32>
    tpu.vector_store %arg14[%swap3A_105, %swap3A_106], %dot_general3A_104 {strides = array<i32>} : memref<4x8192xf32, #tpu.memory_space<vmem>>, vector<1x2048xf32>,
    %slice3A_108 = vector.extract_strided_slice %max3A_95 {offsets = [128, 0], sizes = [64, 2048], strides = [1, 1]} : vector<256x2048xf32> to vector<64x2048xf32>
    %dot_general3A_109 = arith.constant dense<0.000000e+00> : vector<1x2048xf32>
    %dot_general3A_110 = tpu.matmul %broadcast_in_dim3A_60, %slice3A_108, %dot_general3A_109 {dimension_numbers = #tpu.dot_dimension_numbers<[1], [0], [0], [1], [0, 0, 1, 1], [], []>, transpose_lhs_hint = false} : vector<1x64xf32>, vector<64x2048xf32>, vector<1x2048xf32> -> vector<1x2048xf32>
    %swap3A_111 = arith.constant 2 : index
    %swap3A_112 = arith.constant 2048 : index
    %swap3A_113 = vector.load %arg14[%swap3A_111, %swap3A_112] : memref<4x8192xf32, #tpu.memory_space<vmem>>, vector<1x2048xf32>
    tpu.vector_store %arg14[%swap3A_111, %swap3A_112], %dot_general3A_110 {strides = array<i32>} : memref<4x8192xf32, #tpu.memory_space<vmem>>, vector<1x2048xf32>,
    %slice3A_114 = vector.extract_strided_slice %max3A_95 {offsets = [192, 0], sizes = [64, 2048], strides = [1, 1]} : vector<256x2048xf32> to vector<64x2048xf32>
    %dot_general3A_115 = arith.constant dense<0.000000e+00> : vector<1x2048xf32>
    %dot_general3A_116 = tpu.matmul %broadcast_in_dim3A_60, %slice3A_114, %dot_general3A_115 {dimension_numbers = #tpu.dot_dimension_numbers<[1], [0], [0], [1], [0, 0, 1, 1], [], []>, transpose_lhs_hint = false} : vector<1x64xf32>, vector<64x2048xf32>, vector<1x2048xf32> -> vector<1x2048xf32>
    %swap3A_117 = arith.constant 3 : index
    %swap3A_118 = arith.constant 2048 : index
    %swap3A_119 = vector.load %arg14[%swap3A_117, %swap3A_118] : memref<4x8192xf32, #tpu.memory_space<vmem>>, vector<1x2048xf32>
    tpu.vector_store %arg14[%swap3A_117, %swap3A_118], %dot_general3A_116 {strides = array<i32>} : memref<4x8192xf32, #tpu.memory_space<vmem>>, vector<1x2048xf32>,
    %add3A_120 = arith.addf %add3A, %max3A_95 : vector<256x2048xf32>
    %slice3A_121 = vector.extract_strided_slice %get3A_1 {offsets = [0, 4096], sizes = [64, 2048], strides = [1, 1]} : vector<64x8192xf32> to vector<64x2048xf32>
    %dot_general3A_122 = arith.constant dense<0.000000e+00> : vector<256x2048xf32>
    %dot_general3A_123 = tpu.matmul %concatenate3A, %slice3A_121, %dot_general3A_122 {dimension_numbers = #tpu.dot_dimension_numbers<[1], [0], [0], [1], [0, 0, 1, 1], [], []>, transpose_lhs_hint = false} : vector<256x64xf32>, vector<64x2048xf32>, vector<256x2048xf32> -> vector<256x2048xf32>
    %max3A_124 = arith.constant 0.000000e+00 : f32
    %max3A_125 = vector.broadcast %max3A_124 : f32 to vector<256x2048xf32>
    %max3A_126 = arith.maximumf %dot_general3A_123, %max3A_125 : vector<256x2048xf32>
    %slice3A_127 = vector.extract_strided_slice %max3A_126 {offsets = [0, 0], sizes = [64, 2048], strides = [1, 1]} : vector<256x2048xf32> to vector<64x2048xf32>
    %dot_general3A_128 = arith.constant dense<0.000000e+00> : vector<1x2048xf32>
    %dot_general3A_129 = tpu.matmul %broadcast_in_dim3A_60, %slice3A_127, %dot_general3A_128 {dimension_numbers = #tpu.dot_dimension_numbers<[1], [0], [0], [1], [0, 0, 1, 1], [], []>, transpose_lhs_hint = false} : vector<1x64xf32>, vector<64x2048xf32>, vector<1x2048xf32> -> vector<1x2048xf32>
    %swap3A_130 = arith.constant 0 : index
    %swap3A_131 = arith.constant 4096 : index
    %swap3A_132 = vector.load %arg14[%swap3A_130, %swap3A_131] : memref<4x8192xf32, #tpu.memory_space<vmem>>, vector<1x2048xf32>
    tpu.vector_store %arg14[%swap3A_130, %swap3A_131], %dot_general3A_129 {strides = array<i32>} : memref<4x8192xf32, #tpu.memory_space<vmem>>, vector<1x2048xf32>,
    %slice3A_133 = vector.extract_strided_slice %max3A_126 {offsets = [64, 0], sizes = [64, 2048], strides = [1, 1]} : vector<256x2048xf32> to vector<64x2048xf32>
    %dot_general3A_134 = arith.constant dense<0.000000e+00> : vector<1x2048xf32>
    %dot_general3A_135 = tpu.matmul %broadcast_in_dim3A_60, %slice3A_133, %dot_general3A_134 {dimension_numbers = #tpu.dot_dimension_numbers<[1], [0], [0], [1], [0, 0, 1, 1], [], []>, transpose_lhs_hint = false} : vector<1x64xf32>, vector<64x2048xf32>, vector<1x2048xf32> -> vector<1x2048xf32>
    %swap3A_136 = arith.constant 1 : index
    %swap3A_137 = arith.constant 4096 : index
    %swap3A_138 = vector.load %arg14[%swap3A_136, %swap3A_137] : memref<4x8192xf32, #tpu.memory_space<vmem>>, vector<1x2048xf32>
    tpu.vector_store %arg14[%swap3A_136, %swap3A_137], %dot_general3A_135 {strides = array<i32>} : memref<4x8192xf32, #tpu.memory_space<vmem>>, vector<1x2048xf32>,
    %slice3A_139 = vector.extract_strided_slice %max3A_126 {offsets = [128, 0], sizes = [64, 2048], strides = [1, 1]} : vector<256x2048xf32> to vector<64x2048xf32>
    %dot_general3A_140 = arith.constant dense<0.000000e+00> : vector<1x2048xf32>
    %dot_general3A_141 = tpu.matmul %broadcast_in_dim3A_60, %slice3A_139, %dot_general3A_140 {dimension_numbers = #tpu.dot_dimension_numbers<[1], [0], [0], [1], [0, 0, 1, 1], [], []>, transpose_lhs_hint = false} : vector<1x64xf32>, vector<64x2048xf32>, vector<1x2048xf32> -> vector<1x2048xf32>
    %swap3A_142 = arith.constant 2 : index
    %swap3A_143 = arith.constant 4096 : index
    %swap3A_144 = vector.load %arg14[%swap3A_142, %swap3A_143] : memref<4x8192xf32, #tpu.memory_space<vmem>>, vector<1x2048xf32>
    tpu.vector_store %arg14[%swap3A_142, %swap3A_143], %dot_general3A_141 {strides = array<i32>} : memref<4x8192xf32, #tpu.memory_space<vmem>>, vector<1x2048xf32>,
    %slice3A_145 = vector.extract_strided_slice %max3A_126 {offsets = [192, 0], sizes = [64, 2048], strides = [1, 1]} : vector<256x2048xf32> to vector<64x2048xf32>
    %dot_general3A_146 = arith.constant dense<0.000000e+00> : vector<1x2048xf32>
    %dot_general3A_147 = tpu.matmul %broadcast_in_dim3A_60, %slice3A_145, %dot_general3A_146 {dimension_numbers = #tpu.dot_dimension_numbers<[1], [0], [0], [1], [0, 0, 1, 1], [], []>, transpose_lhs_hint = false} : vector<1x64xf32>, vector<64x2048xf32>, vector<1x2048xf32> -> vector<1x2048xf32>
    %swap3A_148 = arith.constant 3 : index
    %swap3A_149 = arith.constant 4096 : index
    %swap3A_150 = vector.load %arg14[%swap3A_148, %swap3A_149] : memref<4x8192xf32, #tpu.memory_space<vmem>>, vector<1x2048xf32>
    tpu.vector_store %arg14[%swap3A_148, %swap3A_149], %dot_general3A_147 {strides = array<i32>} : memref<4x8192xf32, #tpu.memory_space<vmem>>, vector<1x2048xf32>,
    %add3A_151 = arith.addf %add3A_120, %max3A_126 : vector<256x2048xf32>
    %slice3A_152 = vector.extract_strided_slice %get3A_1 {offsets = [0, 6144], sizes = [64, 2048], strides = [1, 1]} : vector<64x8192xf32> to vector<64x2048xf32>
    %dot_general3A_153 = arith.constant dense<0.000000e+00> : vector<256x2048xf32>
    %dot_general3A_154 = tpu.matmul %concatenate3A, %slice3A_152, %dot_general3A_153 {dimension_numbers = #tpu.dot_dimension_numbers<[1], [0], [0], [1], [0, 0, 1, 1], [], []>, transpose_lhs_hint = false} : vector<256x64xf32>, vector<64x2048xf32>, vector<256x2048xf32> -> vector<256x2048xf32>
    %max3A_155 = arith.constant 0.000000e+00 : f32
    %max3A_156 = vector.broadcast %max3A_155 : f32 to vector<256x2048xf32>
    %max3A_157 = arith.maximumf %dot_general3A_154, %max3A_156 : vector<256x2048xf32>
    %slice3A_158 = vector.extract_strided_slice %max3A_157 {offsets = [0, 0], sizes = [64, 2048], strides = [1, 1]} : vector<256x2048xf32> to vector<64x2048xf32>
    %dot_general3A_159 = arith.constant dense<0.000000e+00> : vector<1x2048xf32>
    %dot_general3A_160 = tpu.matmul %broadcast_in_dim3A_60, %slice3A_158, %dot_general3A_159 {dimension_numbers = #tpu.dot_dimension_numbers<[1], [0], [0], [1], [0, 0, 1, 1], [], []>, transpose_lhs_hint = false} : vector<1x64xf32>, vector<64x2048xf32>, vector<1x2048xf32> -> vector<1x2048xf32>
    %swap3A_161 = arith.constant 0 : index
    %swap3A_162 = arith.constant 6144 : index
    %swap3A_163 = vector.load %arg14[%swap3A_161, %swap3A_162] : memref<4x8192xf32, #tpu.memory_space<vmem>>, vector<1x2048xf32>
    tpu.vector_store %arg14[%swap3A_161, %swap3A_162], %dot_general3A_160 {strides = array<i32>} : memref<4x8192xf32, #tpu.memory_space<vmem>>, vector<1x2048xf32>,
    %slice3A_164 = vector.extract_strided_slice %max3A_157 {offsets = [64, 0], sizes = [64, 2048], strides = [1, 1]} : vector<256x2048xf32> to vector<64x2048xf32>
    %dot_general3A_165 = arith.constant dense<0.000000e+00> : vector<1x2048xf32>
    %dot_general3A_166 = tpu.matmul %broadcast_in_dim3A_60, %slice3A_164, %dot_general3A_165 {dimension_numbers = #tpu.dot_dimension_numbers<[1], [0], [0], [1], [0, 0, 1, 1], [], []>, transpose_lhs_hint = false} : vector<1x64xf32>, vector<64x2048xf32>, vector<1x2048xf32> -> vector<1x2048xf32>
    %swap3A_167 = arith.constant 1 : index
    %swap3A_168 = arith.constant 6144 : index
    %swap3A_169 = vector.load %arg14[%swap3A_167, %swap3A_168] : memref<4x8192xf32, #tpu.memory_space<vmem>>, vector<1x2048xf32>
    tpu.vector_store %arg14[%swap3A_167, %swap3A_168], %dot_general3A_166 {strides = array<i32>} : memref<4x8192xf32, #tpu.memory_space<vmem>>, vector<1x2048xf32>,
    %slice3A_170 = vector.extract_strided_slice %max3A_157 {offsets = [128, 0], sizes = [64, 2048], strides = [1, 1]} : vector<256x2048xf32> to vector<64x2048xf32>
    %dot_general3A_171 = arith.constant dense<0.000000e+00> : vector<1x2048xf32>
    %dot_general3A_172 = tpu.matmul %broadcast_in_dim3A_60, %slice3A_170, %dot_general3A_171 {dimension_numbers = #tpu.dot_dimension_numbers<[1], [0], [0], [1], [0, 0, 1, 1], [], []>, transpose_lhs_hint = false} : vector<1x64xf32>, vector<64x2048xf32>, vector<1x2048xf32> -> vector<1x2048xf32>
    %swap3A_173 = arith.constant 2 : index
    %swap3A_174 = arith.constant 6144 : index
    %swap3A_175 = vector.load %arg14[%swap3A_173, %swap3A_174] : memref<4x8192xf32, #tpu.memory_space<vmem>>, vector<1x2048xf32>
    tpu.vector_store %arg14[%swap3A_173, %swap3A_174], %dot_general3A_172 {strides = array<i32>} : memref<4x8192xf32, #tpu.memory_space<vmem>>, vector<1x2048xf32>,
    %slice3A_176 = vector.extract_strided_slice %max3A_157 {offsets = [192, 0], sizes = [64, 2048], strides = [1, 1]} : vector<256x2048xf32> to vector<64x2048xf32>
    %dot_general3A_177 = arith.constant dense<0.000000e+00> : vector<1x2048xf32>
    %dot_general3A_178 = tpu.matmul %broadcast_in_dim3A_60, %slice3A_176, %dot_general3A_177 {dimension_numbers = #tpu.dot_dimension_numbers<[1], [0], [0], [1], [0, 0, 1, 1], [], []>, transpose_lhs_hint = false} : vector<1x64xf32>, vector<64x2048xf32>, vector<1x2048xf32> -> vector<1x2048xf32>
    %swap3A_179 = arith.constant 3 : index
    %swap3A_180 = arith.constant 6144 : index
    %swap3A_181 = vector.load %arg14[%swap3A_179, %swap3A_180] : memref<4x8192xf32, #tpu.memory_space<vmem>>, vector<1x2048xf32>
    tpu.vector_store %arg14[%swap3A_179, %swap3A_180], %dot_general3A_178 {strides = array<i32>} : memref<4x8192xf32, #tpu.memory_space<vmem>>, vector<1x2048xf32>,
    %add3A_182 = arith.addf %add3A_151, %max3A_157 : vector<256x2048xf32>
    %reduce_sum3A = arith.constant dense<0.000000e+00> : vector<256xf32>
    %reduce_sum3A_183 = vector.multi_reduction <add>, %add3A_182, %reduce_sum3A [1] : vector<256x2048xf32> to vector<256xf32>
    %broadcast_in_dim3A_184 = vector.shape_cast %reduce_sum3A_183 : vector<256xf32> to vector<256x1xf32>
    %iota3A = tpu.iota {dimensions = array<i32: 0>} : vector<64x64xi32>
    %iota3A_185 = tpu.iota {dimensions = array<i32: 1>} : vector<64x64xi32>
    %eq3A = arith.cmpi eq, %iota3A, %iota3A_185 : vector<64x64xi32>
    %convert_element_type3A = arith.extui %eq3A : vector<64x64xi1> to vector<64x64xi32>
    %convert_element_type3A_186 = arith.sitofp %convert_element_type3A : vector<64x64xi32> to vector<64x64xf32>
    %get3A_187 = arith.constant 0 : index
    %get3A_188 = arith.constant 0 : index
    %get3A_189 = arith.constant 0 : index
    %get3A_190 = vector.load %arg4[%get3A_187, %get3A_188, %get3A_189] : memref<4x64x32xf32, #tpu.memory_space<vmem>>, vector<1x64x32xf32>
    %get3A_191 = vector.shape_cast %get3A_190 : vector<1x64x32xf32> to vector<64x32xf32>
    %dot_general3A_192 = arith.constant dense<0.000000e+00> : vector<64x32xf32>
    %dot_general3A_193 = tpu.matmul %mul3A_14, %get3A_191, %dot_general3A_192 {dimension_numbers = #tpu.dot_dimension_numbers<[1], [0], [0], [1], [0, 0, 1, 1], [], []>, transpose_lhs_hint = false} : vector<64x64xf32>, vector<64x32xf32>, vector<64x32xf32> -> vector<64x32xf32>
    %max3A_194 = arith.constant 0.000000e+00 : f32
    %max3A_195 = vector.broadcast %max3A_194 : f32 to vector<64x32xf32>
    %max3A_196 = arith.maximumf %dot_general3A_193, %max3A_195 : vector<64x32xf32>
    %slice3A_197 = vector.extract_strided_slice %broadcast_in_dim3A_184 {offsets = [0, 0], sizes = [64, 1], strides = [1, 1]} : vector<256x1xf32> to vector<64x1xf32>
    %reduce_sum3A_198 = arith.constant dense<0.000000e+00> : vector<64xf32>
    %reduce_sum3A_199 = vector.multi_reduction <add>, %max3A_196, %reduce_sum3A_198 [1] : vector<64x32xf32> to vector<64xf32>
    %broadcast_in_dim3A_200 = vector.shape_cast %reduce_sum3A_199 : vector<64xf32> to vector<64x1xf32>
    %add3A_201 = arith.addf %slice3A_197, %broadcast_in_dim3A_200 : vector<64x1xf32>
    %mul3A_202 = arith.constant 1.21595331E-4 : f32
    %mul3A_203 = vector.broadcast %mul3A_202 : f32 to vector<64x1xf32>
    %mul3A_204 = arith.mulf %add3A_201, %mul3A_203 : vector<64x1xf32>
    %dot_general3A_205 = arith.constant dense<0.000000e+00> : vector<1x64xf32>
    %dot_general3A_206 = tpu.matmul %mul3A_204, %convert_element_type3A_186, %dot_general3A_205 {dimension_numbers = #tpu.dot_dimension_numbers<[0], [0], [1], [1], [0, 1, 1, 1], [], []>, transpose_lhs_hint = false} : vector<64x1xf32>, vector<64x64xf32>, vector<1x64xf32> -> vector<1x64xf32>
    %get3A_207 = arith.constant 0 : index
    %get3A_208 = arith.constant 0 : index
    %get3A_209 = vector.load %arg14[%get3A_207, %get3A_208] : memref<4x8192xf32, #tpu.memory_space<vmem>>, vector<1x8192xf32>
    %reduce_sum3A_210 = vector.shape_cast %get3A_209 : vector<1x8192xf32> to vector<1x1x8192xf32>
    %reduce_sum3A_211 = arith.constant dense<0.000000e+00> : vector<1xf32>
    %reduce_sum3A_212 = vector.multi_reduction <add>, %reduce_sum3A_210, %reduce_sum3A_211 [1, 2] : vector<1x1x8192xf32> to vector<1xf32>
    %reduce_sum3A_213 = vector.shape_cast %reduce_sum3A_212 : vector<1xf32> to vector<1x1x1xf32>
    %reduce_sum3A_214 = vector.extract %reduce_sum3A_213[0, 0, 0] : f32 from vector<1x1x1xf32>
    %div3A = vector.broadcast %reduce_sum3A_214 : f32 to vector<1x8192xf32>
    %div3A_215 = arith.divf %get3A_209, %div3A : vector<1x8192xf32>
    %add3A_216 = arith.constant 9.99999996E-13 : f32
    %add3A_217 = vector.broadcast %add3A_216 : f32 to vector<1x8192xf32>
    %add3A_218 = arith.addf %div3A_215, %add3A_217 : vector<1x8192xf32>
    %log3A = math.log %add3A_218 : vector<1x8192xf32>
    %get3A_219 = arith.constant 0 : index
    %get3A_220 = arith.constant 0 : index
    %get3A_221 = vector.load %arg3[%get3A_219, %get3A_220] : memref<16x32768xf32, #tpu.memory_space<vmem>>, vector<16x8192xf32>
    %add3A_222 = vector.broadcast %log3A : vector<1x8192xf32> to vector<16x8192xf32>
    %add3A_223 = arith.addf %get3A_221, %add3A_222 : vector<16x8192xf32>
    %reduce_max3A = arith.constant dense<0xFF800000> : vector<16xf32>
    %reduce_max3A_224 = vector.multi_reduction <maximumf>, %add3A_223, %reduce_max3A [1] : vector<16x8192xf32> to vector<16xf32>
    %broadcast_in_dim3A_225 = vector.shape_cast %reduce_max3A_224 : vector<16xf32> to vector<16x1xf32>
    %iota3A_226 = tpu.iota {dimensions = array<i32: 1>} : vector<16x8192xi32>
    %eq3A_227 = vector.broadcast %broadcast_in_dim3A_225 : vector<16x1xf32> to vector<16x8192xf32>
    %eq3A_228 = arith.cmpf oeq, %add3A_223, %eq3A_227 : vector<16x8192xf32>
    %jit3A = arith.constant 8192 : i32
    %broadcast_in_dim3A_229 = vector.broadcast %jit3A : i32 to vector<16x8192xi32>
    %select_n3A = arith.select %eq3A_228, %iota3A_226, %broadcast_in_dim3A_229 : vector<16x8192xi1>, vector<16x8192xi32>
    %reduce_min3A = arith.constant dense<2147483647> : vector<16xi32>
    %reduce_min3A_230 = vector.multi_reduction <minsi>, %select_n3A, %reduce_min3A [1] : vector<16x8192xi32> to vector<16xi32>
    %broadcast_in_dim3A_231 = vector.shape_cast %reduce_min3A_230 : vector<16xi32> to vector<16x1xi32>
    %eq3A_232 = vector.broadcast %broadcast_in_dim3A_231 : vector<16x1xi32> to vector<16x8192xi32>
    %eq3A_233 = arith.cmpi eq, %iota3A_226, %eq3A_232 : vector<16x8192xi32>
    %convert_element_type3A_234 = arith.extui %eq3A_233 : vector<16x8192xi1> to vector<16x8192xi32>
    %convert_element_type3A_235 = arith.sitofp %convert_element_type3A_234 : vector<16x8192xi32> to vector<16x8192xf32>
    %get3A_236 = arith.constant 1 : index
    %get3A_237 = arith.constant 0 : index
    %get3A_238 = arith.constant 0 : index
    %get3A_239 = vector.load %arg4[%get3A_236, %get3A_237, %get3A_238] : memref<4x64x32xf32, #tpu.memory_space<vmem>>, vector<1x64x32xf32>
    %get3A_240 = vector.shape_cast %get3A_239 : vector<1x64x32xf32> to vector<64x32xf32>
    %dot_general3A_241 = arith.constant dense<0.000000e+00> : vector<64x32xf32>
    %dot_general3A_242 = tpu.matmul %mul3A_29, %get3A_240, %dot_general3A_241 {dimension_numbers = #tpu.dot_dimension_numbers<[1], [0], [0], [1], [0, 0, 1, 1], [], []>, transpose_lhs_hint = false} : vector<64x64xf32>, vector<64x32xf32>, vector<64x32xf32> -> vector<64x32xf32>
    %max3A_243 = arith.constant 0.000000e+00 : f32
    %max3A_244 = vector.broadcast %max3A_243 : f32 to vector<64x32xf32>
    %max3A_245 = arith.maximumf %dot_general3A_242, %max3A_244 : vector<64x32xf32>
    %slice3A_246 = vector.extract_strided_slice %broadcast_in_dim3A_184 {offsets = [64, 0], sizes = [64, 1], strides = [1, 1]} : vector<256x1xf32> to vector<64x1xf32>
    %reduce_sum3A_247 = arith.constant dense<0.000000e+00> : vector<64xf32>
    %reduce_sum3A_248 = vector.multi_reduction <add>, %max3A_245, %reduce_sum3A_247 [1] : vector<64x32xf32> to vector<64xf32>
    %broadcast_in_dim3A_249 = vector.shape_cast %reduce_sum3A_248 : vector<64xf32> to vector<64x1xf32>
    %add3A_250 = arith.addf %slice3A_246, %broadcast_in_dim3A_249 : vector<64x1xf32>
    %mul3A_251 = arith.constant 1.21595331E-4 : f32
    %mul3A_252 = vector.broadcast %mul3A_251 : f32 to vector<64x1xf32>
    %mul3A_253 = arith.mulf %add3A_250, %mul3A_252 : vector<64x1xf32>
    %dot_general3A_254 = arith.constant dense<0.000000e+00> : vector<1x64xf32>
    %dot_general3A_255 = tpu.matmul %mul3A_253, %convert_element_type3A_186, %dot_general3A_254 {dimension_numbers = #tpu.dot_dimension_numbers<[0], [0], [1], [1], [0, 1, 1, 1], [], []>, transpose_lhs_hint = false} : vector<64x1xf32>, vector<64x64xf32>, vector<1x64xf32> -> vector<1x64xf32>
    %get3A_256 = arith.constant 1 : index
    %get3A_257 = arith.constant 0 : index
    %get3A_258 = vector.load %arg14[%get3A_256, %get3A_257] : memref<4x8192xf32, #tpu.memory_space<vmem>>, vector<1x8192xf32>
    %reduce_sum3A_259 = vector.shape_cast %get3A_258 : vector<1x8192xf32> to vector<1x1x8192xf32>
    %reduce_sum3A_260 = arith.constant dense<0.000000e+00> : vector<1xf32>
    %reduce_sum3A_261 = vector.multi_reduction <add>, %reduce_sum3A_259, %reduce_sum3A_260 [1, 2] : vector<1x1x8192xf32> to vector<1xf32>
    %reduce_sum3A_262 = vector.shape_cast %reduce_sum3A_261 : vector<1xf32> to vector<1x1x1xf32>
    %reduce_sum3A_263 = vector.extract %reduce_sum3A_262[0, 0, 0] : f32 from vector<1x1x1xf32>
    %div3A_264 = vector.broadcast %reduce_sum3A_263 : f32 to vector<1x8192xf32>
    %div3A_265 = arith.divf %get3A_258, %div3A_264 : vector<1x8192xf32>
    %add3A_266 = arith.constant 9.99999996E-13 : f32
    %add3A_267 = vector.broadcast %add3A_266 : f32 to vector<1x8192xf32>
    %add3A_268 = arith.addf %div3A_265, %add3A_267 : vector<1x8192xf32>
    %log3A_269 = math.log %add3A_268 : vector<1x8192xf32>
    %get3A_270 = arith.constant 0 : index
    %get3A_271 = arith.constant 8192 : index
    %get3A_272 = vector.load %arg3[%get3A_270, %get3A_271] : memref<16x32768xf32, #tpu.memory_space<vmem>>, vector<16x8192xf32>
    %add3A_273 = vector.broadcast %log3A_269 : vector<1x8192xf32> to vector<16x8192xf32>
    %add3A_274 = arith.addf %get3A_272, %add3A_273 : vector<16x8192xf32>
    %reduce_max3A_275 = arith.constant dense<0xFF800000> : vector<16xf32>
    %reduce_max3A_276 = vector.multi_reduction <maximumf>, %add3A_274, %reduce_max3A_275 [1] : vector<16x8192xf32> to vector<16xf32>
    %broadcast_in_dim3A_277 = vector.shape_cast %reduce_max3A_276 : vector<16xf32> to vector<16x1xf32>
    %iota3A_278 = tpu.iota {dimensions = array<i32: 1>} : vector<16x8192xi32>
    %eq3A_279 = vector.broadcast %broadcast_in_dim3A_277 : vector<16x1xf32> to vector<16x8192xf32>
    %eq3A_280 = arith.cmpf oeq, %add3A_274, %eq3A_279 : vector<16x8192xf32>
    %jit3A_281 = arith.constant 8192 : i32
    %broadcast_in_dim3A_282 = vector.broadcast %jit3A_281 : i32 to vector<16x8192xi32>
    %select_n3A_283 = arith.select %eq3A_280, %iota3A_278, %broadcast_in_dim3A_282 : vector<16x8192xi1>, vector<16x8192xi32>
    %reduce_min3A_284 = arith.constant dense<2147483647> : vector<16xi32>
    %reduce_min3A_285 = vector.multi_reduction <minsi>, %select_n3A_283, %reduce_min3A_284 [1] : vector<16x8192xi32> to vector<16xi32>
    %broadcast_in_dim3A_286 = vector.shape_cast %reduce_min3A_285 : vector<16xi32> to vector<16x1xi32>
    %eq3A_287 = vector.broadcast %broadcast_in_dim3A_286 : vector<16x1xi32> to vector<16x8192xi32>
    %eq3A_288 = arith.cmpi eq, %iota3A_278, %eq3A_287 : vector<16x8192xi32>
    %convert_element_type3A_289 = arith.extui %eq3A_288 : vector<16x8192xi1> to vector<16x8192xi32>
    %convert_element_type3A_290 = arith.sitofp %convert_element_type3A_289 : vector<16x8192xi32> to vector<16x8192xf32>
    %get3A_291 = arith.constant 2 : index
    %get3A_292 = arith.constant 0 : index
    %get3A_293 = arith.constant 0 : index
    %get3A_294 = vector.load %arg4[%get3A_291, %get3A_292, %get3A_293] : memref<4x64x32xf32, #tpu.memory_space<vmem>>, vector<1x64x32xf32>
    %get3A_295 = vector.shape_cast %get3A_294 : vector<1x64x32xf32> to vector<64x32xf32>
    %dot_general3A_296 = arith.constant dense<0.000000e+00> : vector<64x32xf32>
    %dot_general3A_297 = tpu.matmul %mul3A_44, %get3A_295, %dot_general3A_296 {dimension_numbers = #tpu.dot_dimension_numbers<[1], [0], [0], [1], [0, 0, 1, 1], [], []>, transpose_lhs_hint = false} : vector<64x64xf32>, vector<64x32xf32>, vector<64x32xf32> -> vector<64x32xf32>
    %max3A_298 = arith.constant 0.000000e+00 : f32
    %max3A_299 = vector.broadcast %max3A_298 : f32 to vector<64x32xf32>
    %max3A_300 = arith.maximumf %dot_general3A_297, %max3A_299 : vector<64x32xf32>
    %slice3A_301 = vector.extract_strided_slice %broadcast_in_dim3A_184 {offsets = [128, 0], sizes = [64, 1], strides = [1, 1]} : vector<256x1xf32> to vector<64x1xf32>
    %reduce_sum3A_302 = arith.constant dense<0.000000e+00> : vector<64xf32>
    %reduce_sum3A_303 = vector.multi_reduction <add>, %max3A_300, %reduce_sum3A_302 [1] : vector<64x32xf32> to vector<64xf32>
    %broadcast_in_dim3A_304 = vector.shape_cast %reduce_sum3A_303 : vector<64xf32> to vector<64x1xf32>
    %add3A_305 = arith.addf %slice3A_301, %broadcast_in_dim3A_304 : vector<64x1xf32>
    %mul3A_306 = arith.constant 1.21595331E-4 : f32
    %mul3A_307 = vector.broadcast %mul3A_306 : f32 to vector<64x1xf32>
    %mul3A_308 = arith.mulf %add3A_305, %mul3A_307 : vector<64x1xf32>
    %dot_general3A_309 = arith.constant dense<0.000000e+00> : vector<1x64xf32>
    %dot_general3A_310 = tpu.matmul %mul3A_308, %convert_element_type3A_186, %dot_general3A_309 {dimension_numbers = #tpu.dot_dimension_numbers<[0], [0], [1], [1], [0, 1, 1, 1], [], []>, transpose_lhs_hint = false} : vector<64x1xf32>, vector<64x64xf32>, vector<1x64xf32> -> vector<1x64xf32>
    %get3A_311 = arith.constant 2 : index
    %get3A_312 = arith.constant 0 : index
    %get3A_313 = vector.load %arg14[%get3A_311, %get3A_312] : memref<4x8192xf32, #tpu.memory_space<vmem>>, vector<1x8192xf32>
    %reduce_sum3A_314 = vector.shape_cast %get3A_313 : vector<1x8192xf32> to vector<1x1x8192xf32>
    %reduce_sum3A_315 = arith.constant dense<0.000000e+00> : vector<1xf32>
    %reduce_sum3A_316 = vector.multi_reduction <add>, %reduce_sum3A_314, %reduce_sum3A_315 [1, 2] : vector<1x1x8192xf32> to vector<1xf32>
    %reduce_sum3A_317 = vector.shape_cast %reduce_sum3A_316 : vector<1xf32> to vector<1x1x1xf32>
    %reduce_sum3A_318 = vector.extract %reduce_sum3A_317[0, 0, 0] : f32 from vector<1x1x1xf32>
    %div3A_319 = vector.broadcast %reduce_sum3A_318 : f32 to vector<1x8192xf32>
    %div3A_320 = arith.divf %get3A_313, %div3A_319 : vector<1x8192xf32>
    %add3A_321 = arith.constant 9.99999996E-13 : f32
    %add3A_322 = vector.broadcast %add3A_321 : f32 to vector<1x8192xf32>
    %add3A_323 = arith.addf %div3A_320, %add3A_322 : vector<1x8192xf32>
    %log3A_324 = math.log %add3A_323 : vector<1x8192xf32>
    %get3A_325 = arith.constant 0 : index
    %get3A_326 = arith.constant 16384 : index
    %get3A_327 = vector.load %arg3[%get3A_325, %get3A_326] : memref<16x32768xf32, #tpu.memory_space<vmem>>, vector<16x8192xf32>
    %add3A_328 = vector.broadcast %log3A_324 : vector<1x8192xf32> to vector<16x8192xf32>
    %add3A_329 = arith.addf %get3A_327, %add3A_328 : vector<16x8192xf32>
    %reduce_max3A_330 = arith.constant dense<0xFF800000> : vector<16xf32>
    %reduce_max3A_331 = vector.multi_reduction <maximumf>, %add3A_329, %reduce_max3A_330 [1] : vector<16x8192xf32> to vector<16xf32>
    %broadcast_in_dim3A_332 = vector.shape_cast %reduce_max3A_331 : vector<16xf32> to vector<16x1xf32>
    %iota3A_333 = tpu.iota {dimensions = array<i32: 1>} : vector<16x8192xi32>
    %eq3A_334 = vector.broadcast %broadcast_in_dim3A_332 : vector<16x1xf32> to vector<16x8192xf32>
    %eq3A_335 = arith.cmpf oeq, %add3A_329, %eq3A_334 : vector<16x8192xf32>
    %jit3A_336 = arith.constant 8192 : i32
    %broadcast_in_dim3A_337 = vector.broadcast %jit3A_336 : i32 to vector<16x8192xi32>
    %select_n3A_338 = arith.select %eq3A_335, %iota3A_333, %broadcast_in_dim3A_337 : vector<16x8192xi1>, vector<16x8192xi32>
    %reduce_min3A_339 = arith.constant dense<2147483647> : vector<16xi32>
    %reduce_min3A_340 = vector.multi_reduction <minsi>, %select_n3A_338, %reduce_min3A_339 [1] : vector<16x8192xi32> to vector<16xi32>
    %broadcast_in_dim3A_341 = vector.shape_cast %reduce_min3A_340 : vector<16xi32> to vector<16x1xi32>
    %eq3A_342 = vector.broadcast %broadcast_in_dim3A_341 : vector<16x1xi32> to vector<16x8192xi32>
    %eq3A_343 = arith.cmpi eq, %iota3A_333, %eq3A_342 : vector<16x8192xi32>
    %convert_element_type3A_344 = arith.extui %eq3A_343 : vector<16x8192xi1> to vector<16x8192xi32>
    %convert_element_type3A_345 = arith.sitofp %convert_element_type3A_344 : vector<16x8192xi32> to vector<16x8192xf32>
    %get3A_346 = arith.constant 3 : index
    %get3A_347 = arith.constant 0 : index
    %get3A_348 = arith.constant 0 : index
    %get3A_349 = vector.load %arg4[%get3A_346, %get3A_347, %get3A_348] : memref<4x64x32xf32, #tpu.memory_space<vmem>>, vector<1x64x32xf32>
    %get3A_350 = vector.shape_cast %get3A_349 : vector<1x64x32xf32> to vector<64x32xf32>
    %dot_general3A_351 = arith.constant dense<0.000000e+00> : vector<64x32xf32>
    %dot_general3A_352 = tpu.matmul %mul3A_59, %get3A_350, %dot_general3A_351 {dimension_numbers = #tpu.dot_dimension_numbers<[1], [0], [0], [1], [0, 0, 1, 1], [], []>, transpose_lhs_hint = false} : vector<64x64xf32>, vector<64x32xf32>, vector<64x32xf32> -> vector<64x32xf32>
    %max3A_353 = arith.constant 0.000000e+00 : f32
    %max3A_354 = vector.broadcast %max3A_353 : f32 to vector<64x32xf32>
    %max3A_355 = arith.maximumf %dot_general3A_352, %max3A_354 : vector<64x32xf32>
    %slice3A_356 = vector.extract_strided_slice %broadcast_in_dim3A_184 {offsets = [192, 0], sizes = [64, 1], strides = [1, 1]} : vector<256x1xf32> to vector<64x1xf32>
    %reduce_sum3A_357 = arith.constant dense<0.000000e+00> : vector<64xf32>
    %reduce_sum3A_358 = vector.multi_reduction <add>, %max3A_355, %reduce_sum3A_357 [1] : vector<64x32xf32> to vector<64xf32>
    %broadcast_in_dim3A_359 = vector.shape_cast %reduce_sum3A_358 : vector<64xf32> to vector<64x1xf32>
    %add3A_360 = arith.addf %slice3A_356, %broadcast_in_dim3A_359 : vector<64x1xf32>
    %mul3A_361 = arith.constant 1.21595331E-4 : f32
    %mul3A_362 = vector.broadcast %mul3A_361 : f32 to vector<64x1xf32>
    %mul3A_363 = arith.mulf %add3A_360, %mul3A_362 : vector<64x1xf32>
    %dot_general3A_364 = arith.constant dense<0.000000e+00> : vector<1x64xf32>
    %dot_general3A_365 = tpu.matmul %mul3A_363, %convert_element_type3A_186, %dot_general3A_364 {dimension_numbers = #tpu.dot_dimension_numbers<[0], [0], [1], [1], [0, 1, 1, 1], [], []>, transpose_lhs_hint = false} : vector<64x1xf32>, vector<64x64xf32>, vector<1x64xf32> -> vector<1x64xf32>
    %get3A_366 = arith.constant 3 : index
    %get3A_367 = arith.constant 0 : index
    %get3A_368 = vector.load %arg14[%get3A_366, %get3A_367] : memref<4x8192xf32, #tpu.memory_space<vmem>>, vector<1x8192xf32>
    %reduce_sum3A_369 = vector.shape_cast %get3A_368 : vector<1x8192xf32> to vector<1x1x8192xf32>
    %reduce_sum3A_370 = arith.constant dense<0.000000e+00> : vector<1xf32>
    %reduce_sum3A_371 = vector.multi_reduction <add>, %reduce_sum3A_369, %reduce_sum3A_370 [1, 2] : vector<1x1x8192xf32> to vector<1xf32>
    %reduce_sum3A_372 = vector.shape_cast %reduce_sum3A_371 : vector<1xf32> to vector<1x1x1xf32>
    %reduce_sum3A_373 = vector.extract %reduce_sum3A_372[0, 0, 0] : f32 from vector<1x1x1xf32>
    %div3A_374 = vector.broadcast %reduce_sum3A_373 : f32 to vector<1x8192xf32>
    %div3A_375 = arith.divf %get3A_368, %div3A_374 : vector<1x8192xf32>
    %add3A_376 = arith.constant 9.99999996E-13 : f32
    %add3A_377 = vector.broadcast %add3A_376 : f32 to vector<1x8192xf32>
    %add3A_378 = arith.addf %div3A_375, %add3A_377 : vector<1x8192xf32>
    %log3A_379 = math.log %add3A_378 : vector<1x8192xf32>
    %get3A_380 = arith.constant 0 : index
    %get3A_381 = arith.constant 24576 : index
    %get3A_382 = vector.load %arg3[%get3A_380, %get3A_381] : memref<16x32768xf32, #tpu.memory_space<vmem>>, vector<16x8192xf32>
    %add3A_383 = vector.broadcast %log3A_379 : vector<1x8192xf32> to vector<16x8192xf32>
    %add3A_384 = arith.addf %get3A_382, %add3A_383 : vector<16x8192xf32>
    %reduce_max3A_385 = arith.constant dense<0xFF800000> : vector<16xf32>
    %reduce_max3A_386 = vector.multi_reduction <maximumf>, %add3A_384, %reduce_max3A_385 [1] : vector<16x8192xf32> to vector<16xf32>
    %broadcast_in_dim3A_387 = vector.shape_cast %reduce_max3A_386 : vector<16xf32> to vector<16x1xf32>
    %iota3A_388 = tpu.iota {dimensions = array<i32: 1>} : vector<16x8192xi32>
    %eq3A_389 = vector.broadcast %broadcast_in_dim3A_387 : vector<16x1xf32> to vector<16x8192xf32>
    %eq3A_390 = arith.cmpf oeq, %add3A_384, %eq3A_389 : vector<16x8192xf32>
    %jit3A_391 = arith.constant 8192 : i32
    %broadcast_in_dim3A_392 = vector.broadcast %jit3A_391 : i32 to vector<16x8192xi32>
    %select_n3A_393 = arith.select %eq3A_390, %iota3A_388, %broadcast_in_dim3A_392 : vector<16x8192xi1>, vector<16x8192xi32>
    %reduce_min3A_394 = arith.constant dense<2147483647> : vector<16xi32>
    %reduce_min3A_395 = vector.multi_reduction <minsi>, %select_n3A_393, %reduce_min3A_394 [1] : vector<16x8192xi32> to vector<16xi32>
    %broadcast_in_dim3A_396 = vector.shape_cast %reduce_min3A_395 : vector<16xi32> to vector<16x1xi32>
    %eq3A_397 = vector.broadcast %broadcast_in_dim3A_396 : vector<16x1xi32> to vector<16x8192xi32>
    %eq3A_398 = arith.cmpi eq, %iota3A_388, %eq3A_397 : vector<16x8192xi32>
    %convert_element_type3A_399 = arith.extui %eq3A_398 : vector<16x8192xi1> to vector<16x8192xi32>
    %convert_element_type3A_400 = arith.sitofp %convert_element_type3A_399 : vector<16x8192xi32> to vector<16x8192xf32>
    %concatenate3A_401 = tpu.concatenate %convert_element_type3A_235, %convert_element_type3A_290, %convert_element_type3A_345, %convert_element_type3A_400 in 0 : vector<16x8192xf32>, vector<16x8192xf32>, vector<16x8192xf32>, vector<16x8192xf32> -> vector<64x8192xf32>
    %get3A_402 = arith.constant 0 : index
    %get3A_403 = arith.constant 0 : index
    %get3A_404 = vector.load %arg2[%get3A_402, %get3A_403] : memref<8192x64xf32, #tpu.memory_space<vmem>>, vector<8192x64xf32>
    %dot_general3A_405 = arith.constant dense<0.000000e+00> : vector<64x64xf32>
    %dot_general3A_406 = tpu.matmul %concatenate3A_401, %get3A_404, %dot_general3A_405 {dimension_numbers = #tpu.dot_dimension_numbers<[1], [0], [0], [1], [0, 0, 1, 1], [], []>, transpose_lhs_hint = false} : vector<64x8192xf32>, vector<8192x64xf32>, vector<64x64xf32> -> vector<64x64xf32>
    %slice3A_407 = vector.extract_strided_slice %dot_general3A_406 {offsets = [0, 0], sizes = [16, 64], strides = [1, 1]} : vector<64x64xf32> to vector<16x64xf32>
    %dot_general3A_408 = arith.constant dense<0.000000e+00> : vector<16x64xf32>
    %dot_general3A_409 = tpu.matmul %slice3A_407, %mul3A_14, %dot_general3A_408 {dimension_numbers = #tpu.dot_dimension_numbers<[1], [1], [0], [0], [0, 0, 1, 0], [], []>, transpose_lhs_hint = false} : vector<16x64xf32>, vector<64x64xf32>, vector<16x64xf32> -> vector<16x64xf32>
    %max3A_410 = arith.constant 0.000000e+00 : f32
    %max3A_411 = vector.broadcast %max3A_410 : f32 to vector<16x64xf32>
    %max3A_412 = arith.maximumf %dot_general3A_409, %max3A_411 : vector<16x64xf32>
    %swap3A_413 = arith.constant 0 : index
    %swap3A_414 = arith.constant 0 : index
    %swap3A_415 = arith.constant 0 : index
    %swap3A_416 = vector.load %arg13[%swap3A_413, %swap3A_414, %swap3A_415] : memref<4x16x64xf32, #tpu.memory_space<vmem>>, vector<1x16x64xf32>
    %swap3A_417 = vector.shape_cast %swap3A_416 : vector<1x16x64xf32> to vector<16x64xf32>
    %swap3A_418 = vector.shape_cast %max3A_412 : vector<16x64xf32> to vector<1x16x64xf32>
    tpu.vector_store %arg13[%swap3A_413, %swap3A_414, %swap3A_415], %swap3A_418 {strides = array<i32>} : memref<4x16x64xf32, #tpu.memory_space<vmem>>, vector<1x16x64xf32>,
    %broadcast_in_dim3A_419 = vector.shape_cast %dot_general3A_206 : vector<1x64xf32> to vector<1x64xf32>
    %broadcast_in_dim3A_420 = vector.broadcast %broadcast_in_dim3A_419 : vector<1x64xf32> to vector<16x64xf32>
    %get3A_421 = arith.constant 0 : index
    %get3A_422 = arith.constant 0 : index
    %get3A_423 = arith.constant 0 : index
    %get3A_424 = vector.load %arg7[%get3A_421, %get3A_422, %get3A_423] : memref<1x64x96xf32, #tpu.memory_space<vmem>>, vector<1x64x96xf32>
    %get3A_425 = vector.shape_cast %get3A_424 : vector<1x64x96xf32> to vector<64x96xf32>
    %slice3A_426 = vector.extract_strided_slice %get3A_425 {offsets = [0, 0], sizes = [16, 96], strides = [1, 1]} : vector<64x96xf32> to vector<16x96xf32>
    %concatenate3A_427 = tpu.concatenate %slice3A_407, %broadcast_in_dim3A_420, %slice3A_426 in 1 : vector<16x64xf32>, vector<16x64xf32>, vector<16x96xf32> -> vector<16x224xf32>
    %slice3A_428 = vector.extract_strided_slice %dot_general3A_406 {offsets = [16, 0], sizes = [16, 64], strides = [1, 1]} : vector<64x64xf32> to vector<16x64xf32>
    %dot_general3A_429 = arith.constant dense<0.000000e+00> : vector<16x64xf32>
    %dot_general3A_430 = tpu.matmul %slice3A_428, %mul3A_29, %dot_general3A_429 {dimension_numbers = #tpu.dot_dimension_numbers<[1], [1], [0], [0], [0, 0, 1, 0], [], []>, transpose_lhs_hint = false} : vector<16x64xf32>, vector<64x64xf32>, vector<16x64xf32> -> vector<16x64xf32>
    %max3A_431 = arith.constant 0.000000e+00 : f32
    %max3A_432 = vector.broadcast %max3A_431 : f32 to vector<16x64xf32>
    %max3A_433 = arith.maximumf %dot_general3A_430, %max3A_432 : vector<16x64xf32>
    %swap3A_434 = arith.constant 1 : index
    %swap3A_435 = arith.constant 0 : index
    %swap3A_436 = arith.constant 0 : index
    %swap3A_437 = vector.load %arg13[%swap3A_434, %swap3A_435, %swap3A_436] : memref<4x16x64xf32, #tpu.memory_space<vmem>>, vector<1x16x64xf32>
    %swap3A_438 = vector.shape_cast %swap3A_437 : vector<1x16x64xf32> to vector<16x64xf32>
    %swap3A_439 = vector.shape_cast %max3A_433 : vector<16x64xf32> to vector<1x16x64xf32>
    tpu.vector_store %arg13[%swap3A_434, %swap3A_435, %swap3A_436], %swap3A_439 {strides = array<i32>} : memref<4x16x64xf32, #tpu.memory_space<vmem>>, vector<1x16x64xf32>,
    %broadcast_in_dim3A_440 = vector.shape_cast %dot_general3A_255 : vector<1x64xf32> to vector<1x64xf32>
    %broadcast_in_dim3A_441 = vector.broadcast %broadcast_in_dim3A_440 : vector<1x64xf32> to vector<16x64xf32>
    %get3A_442 = arith.constant 0 : index
    %get3A_443 = arith.constant 0 : index
    %get3A_444 = arith.constant 0 : index
    %get3A_445 = vector.load %arg7[%get3A_442, %get3A_443, %get3A_444] : memref<1x64x96xf32, #tpu.memory_space<vmem>>, vector<1x64x96xf32>
    %get3A_446 = vector.shape_cast %get3A_445 : vector<1x64x96xf32> to vector<64x96xf32>
    %slice3A_447 = vector.extract_strided_slice %get3A_446 {offsets = [16, 0], sizes = [16, 96], strides = [1, 1]} : vector<64x96xf32> to vector<16x96xf32>
    %concatenate3A_448 = tpu.concatenate %slice3A_428, %broadcast_in_dim3A_441, %slice3A_447 in 1 : vector<16x64xf32>, vector<16x64xf32>, vector<16x96xf32> -> vector<16x224xf32>
    %slice3A_449 = vector.extract_strided_slice %dot_general3A_406 {offsets = [32, 0], sizes = [16, 64], strides = [1, 1]} : vector<64x64xf32> to vector<16x64xf32>
    %dot_general3A_450 = arith.constant dense<0.000000e+00> : vector<16x64xf32>
    %dot_general3A_451 = tpu.matmul %slice3A_449, %mul3A_44, %dot_general3A_450 {dimension_numbers = #tpu.dot_dimension_numbers<[1], [1], [0], [0], [0, 0, 1, 0], [], []>, transpose_lhs_hint = false} : vector<16x64xf32>, vector<64x64xf32>, vector<16x64xf32> -> vector<16x64xf32>
    %max3A_452 = arith.constant 0.000000e+00 : f32
    %max3A_453 = vector.broadcast %max3A_452 : f32 to vector<16x64xf32>
    %max3A_454 = arith.maximumf %dot_general3A_451, %max3A_453 : vector<16x64xf32>
    %swap3A_455 = arith.constant 2 : index
    %swap3A_456 = arith.constant 0 : index
    %swap3A_457 = arith.constant 0 : index
    %swap3A_458 = vector.load %arg13[%swap3A_455, %swap3A_456, %swap3A_457] : memref<4x16x64xf32, #tpu.memory_space<vmem>>, vector<1x16x64xf32>
    %swap3A_459 = vector.shape_cast %swap3A_458 : vector<1x16x64xf32> to vector<16x64xf32>
    %swap3A_460 = vector.shape_cast %max3A_454 : vector<16x64xf32> to vector<1x16x64xf32>
    tpu.vector_store %arg13[%swap3A_455, %swap3A_456, %swap3A_457], %swap3A_460 {strides = array<i32>} : memref<4x16x64xf32, #tpu.memory_space<vmem>>, vector<1x16x64xf32>,
    %broadcast_in_dim3A_461 = vector.shape_cast %dot_general3A_310 : vector<1x64xf32> to vector<1x64xf32>
    %broadcast_in_dim3A_462 = vector.broadcast %broadcast_in_dim3A_461 : vector<1x64xf32> to vector<16x64xf32>
    %get3A_463 = arith.constant 0 : index
    %get3A_464 = arith.constant 0 : index
    %get3A_465 = arith.constant 0 : index
    %get3A_466 = vector.load %arg7[%get3A_463, %get3A_464, %get3A_465] : memref<1x64x96xf32, #tpu.memory_space<vmem>>, vector<1x64x96xf32>
    %get3A_467 = vector.shape_cast %get3A_466 : vector<1x64x96xf32> to vector<64x96xf32>
    %slice3A_468 = vector.extract_strided_slice %get3A_467 {offsets = [32, 0], sizes = [16, 96], strides = [1, 1]} : vector<64x96xf32> to vector<16x96xf32>
    %concatenate3A_469 = tpu.concatenate %slice3A_449, %broadcast_in_dim3A_462, %slice3A_468 in 1 : vector<16x64xf32>, vector<16x64xf32>, vector<16x96xf32> -> vector<16x224xf32>
    %slice3A_470 = vector.extract_strided_slice %dot_general3A_406 {offsets = [48, 0], sizes = [16, 64], strides = [1, 1]} : vector<64x64xf32> to vector<16x64xf32>
    %dot_general3A_471 = arith.constant dense<0.000000e+00> : vector<16x64xf32>
    %dot_general3A_472 = tpu.matmul %slice3A_470, %mul3A_59, %dot_general3A_471 {dimension_numbers = #tpu.dot_dimension_numbers<[1], [1], [0], [0], [0, 0, 1, 0], [], []>, transpose_lhs_hint = false} : vector<16x64xf32>, vector<64x64xf32>, vector<16x64xf32> -> vector<16x64xf32>
    %max3A_473 = arith.constant 0.000000e+00 : f32
    %max3A_474 = vector.broadcast %max3A_473 : f32 to vector<16x64xf32>
    %max3A_475 = arith.maximumf %dot_general3A_472, %max3A_474 : vector<16x64xf32>
    %swap3A_476 = arith.constant 3 : index
    %swap3A_477 = arith.constant 0 : index
    %swap3A_478 = arith.constant 0 : index
    %swap3A_479 = vector.load %arg13[%swap3A_476, %swap3A_477, %swap3A_478] : memref<4x16x64xf32, #tpu.memory_space<vmem>>, vector<1x16x64xf32>
    %swap3A_480 = vector.shape_cast %swap3A_479 : vector<1x16x64xf32> to vector<16x64xf32>
    %swap3A_481 = vector.shape_cast %max3A_475 : vector<16x64xf32> to vector<1x16x64xf32>
    tpu.vector_store %arg13[%swap3A_476, %swap3A_477, %swap3A_478], %swap3A_481 {strides = array<i32>} : memref<4x16x64xf32, #tpu.memory_space<vmem>>, vector<1x16x64xf32>,
    %broadcast_in_dim3A_482 = vector.shape_cast %dot_general3A_365 : vector<1x64xf32> to vector<1x64xf32>
    %broadcast_in_dim3A_483 = vector.broadcast %broadcast_in_dim3A_482 : vector<1x64xf32> to vector<16x64xf32>
    %get3A_484 = arith.constant 0 : index
    %get3A_485 = arith.constant 0 : index
    %get3A_486 = arith.constant 0 : index
    %get3A_487 = vector.load %arg7[%get3A_484, %get3A_485, %get3A_486] : memref<1x64x96xf32, #tpu.memory_space<vmem>>, vector<1x64x96xf32>
    %get3A_488 = vector.shape_cast %get3A_487 : vector<1x64x96xf32> to vector<64x96xf32>
    %slice3A_489 = vector.extract_strided_slice %get3A_488 {offsets = [48, 0], sizes = [16, 96], strides = [1, 1]} : vector<64x96xf32> to vector<16x96xf32>
    %concatenate3A_490 = tpu.concatenate %slice3A_470, %broadcast_in_dim3A_483, %slice3A_489 in 1 : vector<16x64xf32>, vector<16x64xf32>, vector<16x96xf32> -> vector<16x224xf32>
    %concatenate3A_491 = tpu.concatenate %concatenate3A_427, %concatenate3A_448, %concatenate3A_469, %concatenate3A_490 in 0 : vector<16x224xf32>, vector<16x224xf32>, vector<16x224xf32>, vector<16x224xf32> -> vector<64x224xf32>
    %get3A_492 = arith.constant 0 : index
    %get3A_493 = arith.constant 0 : index
    %get3A_494 = vector.load %arg8[%get3A_492, %get3A_493] : memref<224x256xf32, #tpu.memory_space<vmem>>, vector<224x256xf32>
    %get3A_495 = arith.constant 0 : index
    %get3A_496 = arith.constant 0 : index
    %get3A_497 = vector.load %arg9[%get3A_495, %get3A_496] : memref<1x256xf32, #tpu.memory_space<vmem>>, vector<1x256xf32>
    %get3A_498 = arith.constant 0 : index
    %get3A_499 = arith.constant 0 : index
    %get3A_500 = vector.load %arg10[%get3A_498, %get3A_499] : memref<256x64xf32, #tpu.memory_space<vmem>>, vector<256x64xf32>
    %get3A_501 = arith.constant 0 : index
    %get3A_502 = arith.constant 0 : index
    %get3A_503 = vector.load %arg11[%get3A_501, %get3A_502] : memref<1x64xf32, #tpu.memory_space<vmem>>, vector<1x64xf32>
    %dot_general3A_504 = arith.constant dense<0.000000e+00> : vector<64x256xf32>
    %dot_general3A_505 = tpu.matmul %concatenate3A_491, %get3A_494, %dot_general3A_504 {dimension_numbers = #tpu.dot_dimension_numbers<[1], [0], [0], [1], [0, 0, 1, 1], [], []>, transpose_lhs_hint = false} : vector<64x224xf32>, vector<224x256xf32>, vector<64x256xf32> -> vector<64x256xf32>
    %add3A_506 = vector.broadcast %get3A_497 : vector<1x256xf32> to vector<64x256xf32>
    %add3A_507 = arith.addf %dot_general3A_505, %add3A_506 : vector<64x256xf32>
    %max3A_508 = arith.constant 0.000000e+00 : f32
    %max3A_509 = vector.broadcast %max3A_508 : f32 to vector<64x256xf32>
    %max3A_510 = arith.maximumf %add3A_507, %max3A_509 : vector<64x256xf32>
    %dot_general3A_511 = arith.constant dense<0.000000e+00> : vector<64x64xf32>
    %dot_general3A_512 = tpu.matmul %max3A_510, %get3A_500, %dot_general3A_511 {dimension_numbers = #tpu.dot_dimension_numbers<[1], [0], [0], [1], [0, 0, 1, 1], [], []>, transpose_lhs_hint = false} : vector<64x256xf32>, vector<256x64xf32>, vector<64x64xf32> -> vector<64x64xf32>
    %add3A_513 = vector.broadcast %get3A_503 : vector<1x64xf32> to vector<64x64xf32>
    %add3A_514 = arith.addf %dot_general3A_512, %add3A_513 : vector<64x64xf32>
    %slice3A_515 = vector.extract_strided_slice %add3A_514 {offsets = [0, 0], sizes = [16, 64], strides = [1, 1]} : vector<64x64xf32> to vector<16x64xf32>
    %swap3A_516 = arith.constant 0 : index
    %swap3A_517 = arith.constant 0 : index
    %swap3A_518 = arith.constant 0 : index
    %swap3A_519 = vector.load %arg12[%swap3A_516, %swap3A_517, %swap3A_518] : memref<4x16x64xf32, #tpu.memory_space<vmem>>, vector<1x16x64xf32>
    %swap3A_520 = vector.shape_cast %swap3A_519 : vector<1x16x64xf32> to vector<16x64xf32>
    %swap3A_521 = vector.shape_cast %slice3A_515 : vector<16x64xf32> to vector<1x16x64xf32>
    tpu.vector_store %arg12[%swap3A_516, %swap3A_517, %swap3A_518], %swap3A_521 {strides = array<i32>} : memref<4x16x64xf32, #tpu.memory_space<vmem>>, vector<1x16x64xf32>,
    %slice3A_522 = vector.extract_strided_slice %add3A_514 {offsets = [16, 0], sizes = [16, 64], strides = [1, 1]} : vector<64x64xf32> to vector<16x64xf32>
    %swap3A_523 = arith.constant 1 : index
    %swap3A_524 = arith.constant 0 : index
    %swap3A_525 = arith.constant 0 : index
    %swap3A_526 = vector.load %arg12[%swap3A_523, %swap3A_524, %swap3A_525] : memref<4x16x64xf32, #tpu.memory_space<vmem>>, vector<1x16x64xf32>
    %swap3A_527 = vector.shape_cast %swap3A_526 : vector<1x16x64xf32> to vector<16x64xf32>
    %swap3A_528 = vector.shape_cast %slice3A_522 : vector<16x64xf32> to vector<1x16x64xf32>
    tpu.vector_store %arg12[%swap3A_523, %swap3A_524, %swap3A_525], %swap3A_528 {strides = array<i32>} : memref<4x16x64xf32, #tpu.memory_space<vmem>>, vector<1x16x64xf32>,
    %slice3A_529 = vector.extract_strided_slice %add3A_514 {offsets = [32, 0], sizes = [16, 64], strides = [1, 1]} : vector<64x64xf32> to vector<16x64xf32>
    %swap3A_530 = arith.constant 2 : index
    %swap3A_531 = arith.constant 0 : index
    %swap3A_532 = arith.constant 0 : index
    %swap3A_533 = vector.load %arg12[%swap3A_530, %swap3A_531, %swap3A_532] : memref<4x16x64xf32, #tpu.memory_space<vmem>>, vector<1x16x64xf32>
    %swap3A_534 = vector.shape_cast %swap3A_533 : vector<1x16x64xf32> to vector<16x64xf32>
    %swap3A_535 = vector.shape_cast %slice3A_529 : vector<16x64xf32> to vector<1x16x64xf32>
    tpu.vector_store %arg12[%swap3A_530, %swap3A_531, %swap3A_532], %swap3A_535 {strides = array<i32>} : memref<4x16x64xf32, #tpu.memory_space<vmem>>, vector<1x16x64xf32>,
    %slice3A_536 = vector.extract_strided_slice %add3A_514 {offsets = [48, 0], sizes = [16, 64], strides = [1, 1]} : vector<64x64xf32> to vector<16x64xf32>
    %swap3A_537 = arith.constant 3 : index
    %swap3A_538 = arith.constant 0 : index
    %swap3A_539 = arith.constant 0 : index
    %swap3A_540 = vector.load %arg12[%swap3A_537, %swap3A_538, %swap3A_539] : memref<4x16x64xf32, #tpu.memory_space<vmem>>, vector<1x16x64xf32>
    %swap3A_541 = vector.shape_cast %swap3A_540 : vector<1x16x64xf32> to vector<16x64xf32>
    %swap3A_542 = vector.shape_cast %slice3A_536 : vector<16x64xf32> to vector<1x16x64xf32>
    tpu.vector_store %arg12[%swap3A_537, %swap3A_538, %swap3A_539], %swap3A_542 {strides = array<i32>} : memref<4x16x64xf32, #tpu.memory_space<vmem>>, vector<1x16x64xf32>,
    return
  }
  func.func @transform_0(%arg0: i32) -> (i32, i32) {
    %c0_i32 = arith.constant 0 : i32
    %c0_i32_0 = arith.constant 0 : i32
    %c0_i32_1 = arith.constant 0 : i32
    return %c0_i32, %c0_i32_0 : i32, i32
  }
  func.func @transform_1(%arg0: i32) -> (i32, i32) {
    %c0_i32 = arith.constant 0 : i32
    %c0_i32_0 = arith.constant 0 : i32
    %c0_i32_1 = arith.constant 0 : i32
    return %c0_i32, %c0_i32_0 : i32, i32
  }
  func.func @transform_2(%arg0: i32) -> (i32, i32) {
    %c0_i32 = arith.constant 0 : i32
    %c0_i32_0 = arith.constant 0 : i32
    return %c0_i32, %arg0 : i32, i32
  }
  func.func @transform_3(%arg0: i32) -> (i32, i32, i32) {
    %c0_i32 = arith.constant 0 : i32
    %c0_i32_0 = arith.constant 0 : i32
    %c0_i32_1 = arith.constant 0 : i32
    return %arg0, %c0_i32, %c0_i32_0 : i32, i32, i32
  }
  func.func @transform_4(%arg0: i32) -> (i32, i32, i32) {
    %c0_i32 = arith.constant 0 : i32
    %c0_i32_0 = arith.constant 0 : i32
    %c0_i32_1 = arith.constant 0 : i32
    return %arg0, %c0_i32, %c0_i32_0 : i32, i32, i32
  }
  func.func @transform_5(%arg0: i32) -> (i32, i32, i32) {
    %c0_i32 = arith.constant 0 : i32
    %c0_i32_0 = arith.constant 0 : i32
    %c0_i32_1 = arith.constant 0 : i32
    return %arg0, %c0_i32, %c0_i32_0 : i32, i32, i32
  }
  func.func @transform_6(%arg0: i32) -> (i32, i32, i32) {
    %c0_i32 = arith.constant 0 : i32
    %c0_i32_0 = arith.constant 0 : i32
    %c0_i32_1 = arith.constant 0 : i32
    return %arg0, %c0_i32, %c0_i32_0 : i32, i32, i32
  }
  func.func @transform_7(%arg0: i32) -> (i32, i32) {
    %c0_i32 = arith.constant 0 : i32
    %c0_i32_0 = arith.constant 0 : i32
    %c0_i32_1 = arith.constant 0 : i32
    return %c0_i32, %c0_i32_0 : i32, i32
  }
  func.func @transform_8(%arg0: i32) -> (i32, i32) {
    %c0_i32 = arith.constant 0 : i32
    %c0_i32_0 = arith.constant 0 : i32
    %c0_i32_1 = arith.constant 0 : i32
    return %c0_i32, %c0_i32_0 : i32, i32
  }
  func.func @transform_9(%arg0: i32) -> (i32, i32) {
    %c0_i32 = arith.constant 0 : i32
    %c0_i32_0 = arith.constant 0 : i32
    %c0_i32_1 = arith.constant 0 : i32
    return %c0_i32, %c0_i32_0 : i32, i32
  }
  func.func @transform_10(%arg0: i32) -> (i32, i32) {
    %c0_i32 = arith.constant 0 : i32
    %c0_i32_0 = arith.constant 0 : i32
    %c0_i32_1 = arith.constant 0 : i32
    return %c0_i32, %c0_i32_0 : i32, i32
  }
  func.func @transform_11(%arg0: i32) -> (i32, i32, i32) {
    %c0_i32 = arith.constant 0 : i32
    %c0_i32_0 = arith.constant 0 : i32
    %c0_i32_1 = arith.constant 0 : i32
    return %arg0, %c0_i32, %c0_i32_0 : i32, i32, i32
  }
  func.func @transform_12(%arg0: i32) -> (i32, i32, i32) {
    %c0_i32 = arith.constant 0 : i32
    %c0_i32_0 = arith.constant 0 : i32
    %c0_i32_1 = arith.constant 0 : i32
    return %arg0, %c0_i32, %c0_i32_0 : i32, i32, i32
  }
}

module attributes {stable_mosaic.version = 14 : i64} {
  func.func @_final_body(%arg0: i32, %arg1: memref<64x8192xf32, #tpu.memory_space<vmem>>, %arg2: memref<4x64x32xf32, #tpu.memory_space<vmem>>, %arg3: memref<4x16x64xf32, #tpu.memory_space<vmem>>, %arg4: memref<4x16x64xf32, #tpu.memory_space<vmem>>, %arg5: memref<1x4x8224xf32, #tpu.memory_space<vmem>>, %arg6: memref<4x8224xf32, #tpu.memory_space<vmem>>) attributes {dimension_semantics = [#tpu.dimension_semantics<arbitrary>], iteration_bounds = array<i64: 8>, scalar_prefetch = 0 : i64, scratch_operands = 1 : i64, tpu.core_type = #tpu.core_type<tc>, window_params = [{pipeline_mode = #tpu.pipeline_mode<synchronous>, transform_indices = @transform_0, window_bounds = array<i64: 64, 8192>}, {transform_indices = @transform_1, window_bounds = array<i64: 4, 64, 32>}, {transform_indices = @transform_2, window_bounds = array<i64: 4, 16, 64>}, {transform_indices = @transform_3, window_bounds = array<i64: 4, 16, 64>}, {transform_indices = @transform_4, window_bounds = array<i64: 1, 4, 8224>}]} {
    %get3A = arith.constant 0 : index
    %get3A_0 = arith.constant 0 : index
    %get3A_1 = vector.load %arg1[%get3A, %get3A_0] : memref<64x8192xf32, #tpu.memory_space<vmem>>, vector<64x8192xf32>
    %get3A_2 = arith.constant 0 : index
    %get3A_3 = arith.constant 0 : index
    %get3A_4 = arith.constant 0 : index
    %get3A_5 = vector.load %arg3[%get3A_2, %get3A_3, %get3A_4] : memref<4x16x64xf32, #tpu.memory_space<vmem>>, vector<1x16x64xf32>
    %get3A_6 = vector.shape_cast %get3A_5 : vector<1x16x64xf32> to vector<16x64xf32>
    %get3A_7 = arith.constant 0 : index
    %get3A_8 = arith.constant 0 : index
    %get3A_9 = arith.constant 0 : index
    %get3A_10 = vector.load %arg4[%get3A_7, %get3A_8, %get3A_9] : memref<4x16x64xf32, #tpu.memory_space<vmem>>, vector<1x16x64xf32>
    %get3A_11 = vector.shape_cast %get3A_10 : vector<1x16x64xf32> to vector<16x64xf32>
    %dot_general3A = arith.constant dense<0.000000e+00> : vector<64x64xf32>
    %dot_general3A_12 = tpu.matmul %get3A_11, %get3A_6, %dot_general3A {dimension_numbers = #tpu.dot_dimension_numbers<[0], [0], [1], [1], [0, 1, 1, 1], [], []>, transpose_lhs_hint = false} : vector<16x64xf32>, vector<16x64xf32>, vector<64x64xf32> -> vector<64x64xf32>
    %mul3A = arith.constant 9.765625E-4 : f32
    %mul3A_13 = vector.broadcast %mul3A : f32 to vector<64x64xf32>
    %mul3A_14 = arith.mulf %dot_general3A_12, %mul3A_13 : vector<64x64xf32>
    %get3A_15 = arith.constant 1 : index
    %get3A_16 = arith.constant 0 : index
    %get3A_17 = arith.constant 0 : index
    %get3A_18 = vector.load %arg3[%get3A_15, %get3A_16, %get3A_17] : memref<4x16x64xf32, #tpu.memory_space<vmem>>, vector<1x16x64xf32>
    %get3A_19 = vector.shape_cast %get3A_18 : vector<1x16x64xf32> to vector<16x64xf32>
    %get3A_20 = arith.constant 1 : index
    %get3A_21 = arith.constant 0 : index
    %get3A_22 = arith.constant 0 : index
    %get3A_23 = vector.load %arg4[%get3A_20, %get3A_21, %get3A_22] : memref<4x16x64xf32, #tpu.memory_space<vmem>>, vector<1x16x64xf32>
    %get3A_24 = vector.shape_cast %get3A_23 : vector<1x16x64xf32> to vector<16x64xf32>
    %dot_general3A_25 = arith.constant dense<0.000000e+00> : vector<64x64xf32>
    %dot_general3A_26 = tpu.matmul %get3A_24, %get3A_19, %dot_general3A_25 {dimension_numbers = #tpu.dot_dimension_numbers<[0], [0], [1], [1], [0, 1, 1, 1], [], []>, transpose_lhs_hint = false} : vector<16x64xf32>, vector<16x64xf32>, vector<64x64xf32> -> vector<64x64xf32>
    %mul3A_27 = arith.constant 9.765625E-4 : f32
    %mul3A_28 = vector.broadcast %mul3A_27 : f32 to vector<64x64xf32>
    %mul3A_29 = arith.mulf %dot_general3A_26, %mul3A_28 : vector<64x64xf32>
    %get3A_30 = arith.constant 2 : index
    %get3A_31 = arith.constant 0 : index
    %get3A_32 = arith.constant 0 : index
    %get3A_33 = vector.load %arg3[%get3A_30, %get3A_31, %get3A_32] : memref<4x16x64xf32, #tpu.memory_space<vmem>>, vector<1x16x64xf32>
    %get3A_34 = vector.shape_cast %get3A_33 : vector<1x16x64xf32> to vector<16x64xf32>
    %get3A_35 = arith.constant 2 : index
    %get3A_36 = arith.constant 0 : index
    %get3A_37 = arith.constant 0 : index
    %get3A_38 = vector.load %arg4[%get3A_35, %get3A_36, %get3A_37] : memref<4x16x64xf32, #tpu.memory_space<vmem>>, vector<1x16x64xf32>
    %get3A_39 = vector.shape_cast %get3A_38 : vector<1x16x64xf32> to vector<16x64xf32>
    %dot_general3A_40 = arith.constant dense<0.000000e+00> : vector<64x64xf32>
    %dot_general3A_41 = tpu.matmul %get3A_39, %get3A_34, %dot_general3A_40 {dimension_numbers = #tpu.dot_dimension_numbers<[0], [0], [1], [1], [0, 1, 1, 1], [], []>, transpose_lhs_hint = false} : vector<16x64xf32>, vector<16x64xf32>, vector<64x64xf32> -> vector<64x64xf32>
    %mul3A_42 = arith.constant 9.765625E-4 : f32
    %mul3A_43 = vector.broadcast %mul3A_42 : f32 to vector<64x64xf32>
    %mul3A_44 = arith.mulf %dot_general3A_41, %mul3A_43 : vector<64x64xf32>
    %get3A_45 = arith.constant 3 : index
    %get3A_46 = arith.constant 0 : index
    %get3A_47 = arith.constant 0 : index
    %get3A_48 = vector.load %arg3[%get3A_45, %get3A_46, %get3A_47] : memref<4x16x64xf32, #tpu.memory_space<vmem>>, vector<1x16x64xf32>
    %get3A_49 = vector.shape_cast %get3A_48 : vector<1x16x64xf32> to vector<16x64xf32>
    %get3A_50 = arith.constant 3 : index
    %get3A_51 = arith.constant 0 : index
    %get3A_52 = arith.constant 0 : index
    %get3A_53 = vector.load %arg4[%get3A_50, %get3A_51, %get3A_52] : memref<4x16x64xf32, #tpu.memory_space<vmem>>, vector<1x16x64xf32>
    %get3A_54 = vector.shape_cast %get3A_53 : vector<1x16x64xf32> to vector<16x64xf32>
    %dot_general3A_55 = arith.constant dense<0.000000e+00> : vector<64x64xf32>
    %dot_general3A_56 = tpu.matmul %get3A_54, %get3A_49, %dot_general3A_55 {dimension_numbers = #tpu.dot_dimension_numbers<[0], [0], [1], [1], [0, 1, 1, 1], [], []>, transpose_lhs_hint = false} : vector<16x64xf32>, vector<16x64xf32>, vector<64x64xf32> -> vector<64x64xf32>
    %mul3A_57 = arith.constant 9.765625E-4 : f32
    %mul3A_58 = vector.broadcast %mul3A_57 : f32 to vector<64x64xf32>
    %mul3A_59 = arith.mulf %dot_general3A_56, %mul3A_58 : vector<64x64xf32>
    %concatenate3A = tpu.concatenate %mul3A_14, %mul3A_29, %mul3A_44, %mul3A_59 in 0 : vector<64x64xf32>, vector<64x64xf32>, vector<64x64xf32>, vector<64x64xf32> -> vector<256x64xf32>
    %broadcast_in_dim3A = arith.constant 1.000000e+00 : f32
    %broadcast_in_dim3A_60 = vector.broadcast %broadcast_in_dim3A : f32 to vector<1x64xf32>
    %mul3A_61 = arith.constant 1.562500e-02 : f32
    %mul3A_62 = vector.broadcast %mul3A_61 : f32 to vector<1x64xf32>
    %mul3A_63 = arith.mulf %broadcast_in_dim3A_60, %mul3A_62 : vector<1x64xf32>
    %slice3A = vector.extract_strided_slice %get3A_1 {offsets = [0, 0], sizes = [64, 2048], strides = [1, 1]} : vector<64x8192xf32> to vector<64x2048xf32>
    %dot_general3A_64 = arith.constant dense<0.000000e+00> : vector<256x2048xf32>
    %dot_general3A_65 = tpu.matmul %concatenate3A, %slice3A, %dot_general3A_64 {dimension_numbers = #tpu.dot_dimension_numbers<[1], [0], [0], [1], [0, 0, 1, 1], [], []>, transpose_lhs_hint = false} : vector<256x64xf32>, vector<64x2048xf32>, vector<256x2048xf32> -> vector<256x2048xf32>
    %max3A = arith.constant 0.000000e+00 : f32
    %max3A_66 = vector.broadcast %max3A : f32 to vector<256x2048xf32>
    %max3A_67 = arith.maximumf %dot_general3A_65, %max3A_66 : vector<256x2048xf32>
    %mul3A_68 = arith.mulf %max3A_67, %max3A_67 : vector<256x2048xf32>
    %slice3A_69 = vector.extract_strided_slice %mul3A_68 {offsets = [0, 0], sizes = [64, 2048], strides = [1, 1]} : vector<256x2048xf32> to vector<64x2048xf32>
    %dot_general3A_70 = arith.constant dense<0.000000e+00> : vector<1x2048xf32>
    %dot_general3A_71 = tpu.matmul %mul3A_63, %slice3A_69, %dot_general3A_70 {dimension_numbers = #tpu.dot_dimension_numbers<[1], [0], [0], [1], [0, 0, 1, 1], [], []>, transpose_lhs_hint = false} : vector<1x64xf32>, vector<64x2048xf32>, vector<1x2048xf32> -> vector<1x2048xf32>
    %swap3A = arith.constant 0 : index
    %swap3A_72 = arith.constant 0 : index
    %swap3A_73 = vector.load %arg6[%swap3A, %swap3A_72] : memref<4x8224xf32, #tpu.memory_space<vmem>>, vector<1x2048xf32>
    tpu.vector_store %arg6[%swap3A, %swap3A_72], %dot_general3A_71 {strides = array<i32>} : memref<4x8224xf32, #tpu.memory_space<vmem>>, vector<1x2048xf32>,
    %slice3A_74 = vector.extract_strided_slice %mul3A_68 {offsets = [64, 0], sizes = [64, 2048], strides = [1, 1]} : vector<256x2048xf32> to vector<64x2048xf32>
    %dot_general3A_75 = arith.constant dense<0.000000e+00> : vector<1x2048xf32>
    %dot_general3A_76 = tpu.matmul %mul3A_63, %slice3A_74, %dot_general3A_75 {dimension_numbers = #tpu.dot_dimension_numbers<[1], [0], [0], [1], [0, 0, 1, 1], [], []>, transpose_lhs_hint = false} : vector<1x64xf32>, vector<64x2048xf32>, vector<1x2048xf32> -> vector<1x2048xf32>
    %swap3A_77 = arith.constant 1 : index
    %swap3A_78 = arith.constant 0 : index
    %swap3A_79 = vector.load %arg6[%swap3A_77, %swap3A_78] : memref<4x8224xf32, #tpu.memory_space<vmem>>, vector<1x2048xf32>
    tpu.vector_store %arg6[%swap3A_77, %swap3A_78], %dot_general3A_76 {strides = array<i32>} : memref<4x8224xf32, #tpu.memory_space<vmem>>, vector<1x2048xf32>,
    %slice3A_80 = vector.extract_strided_slice %mul3A_68 {offsets = [128, 0], sizes = [64, 2048], strides = [1, 1]} : vector<256x2048xf32> to vector<64x2048xf32>
    %dot_general3A_81 = arith.constant dense<0.000000e+00> : vector<1x2048xf32>
    %dot_general3A_82 = tpu.matmul %mul3A_63, %slice3A_80, %dot_general3A_81 {dimension_numbers = #tpu.dot_dimension_numbers<[1], [0], [0], [1], [0, 0, 1, 1], [], []>, transpose_lhs_hint = false} : vector<1x64xf32>, vector<64x2048xf32>, vector<1x2048xf32> -> vector<1x2048xf32>
    %swap3A_83 = arith.constant 2 : index
    %swap3A_84 = arith.constant 0 : index
    %swap3A_85 = vector.load %arg6[%swap3A_83, %swap3A_84] : memref<4x8224xf32, #tpu.memory_space<vmem>>, vector<1x2048xf32>
    tpu.vector_store %arg6[%swap3A_83, %swap3A_84], %dot_general3A_82 {strides = array<i32>} : memref<4x8224xf32, #tpu.memory_space<vmem>>, vector<1x2048xf32>,
    %slice3A_86 = vector.extract_strided_slice %mul3A_68 {offsets = [192, 0], sizes = [64, 2048], strides = [1, 1]} : vector<256x2048xf32> to vector<64x2048xf32>
    %dot_general3A_87 = arith.constant dense<0.000000e+00> : vector<1x2048xf32>
    %dot_general3A_88 = tpu.matmul %mul3A_63, %slice3A_86, %dot_general3A_87 {dimension_numbers = #tpu.dot_dimension_numbers<[1], [0], [0], [1], [0, 0, 1, 1], [], []>, transpose_lhs_hint = false} : vector<1x64xf32>, vector<64x2048xf32>, vector<1x2048xf32> -> vector<1x2048xf32>
    %swap3A_89 = arith.constant 3 : index
    %swap3A_90 = arith.constant 0 : index
    %swap3A_91 = vector.load %arg6[%swap3A_89, %swap3A_90] : memref<4x8224xf32, #tpu.memory_space<vmem>>, vector<1x2048xf32>
    tpu.vector_store %arg6[%swap3A_89, %swap3A_90], %dot_general3A_88 {strides = array<i32>} : memref<4x8224xf32, #tpu.memory_space<vmem>>, vector<1x2048xf32>,
    %slice3A_92 = vector.extract_strided_slice %get3A_1 {offsets = [0, 2048], sizes = [64, 2048], strides = [1, 1]} : vector<64x8192xf32> to vector<64x2048xf32>
    %dot_general3A_93 = arith.constant dense<0.000000e+00> : vector<256x2048xf32>
    %dot_general3A_94 = tpu.matmul %concatenate3A, %slice3A_92, %dot_general3A_93 {dimension_numbers = #tpu.dot_dimension_numbers<[1], [0], [0], [1], [0, 0, 1, 1], [], []>, transpose_lhs_hint = false} : vector<256x64xf32>, vector<64x2048xf32>, vector<256x2048xf32> -> vector<256x2048xf32>
    %max3A_95 = arith.constant 0.000000e+00 : f32
    %max3A_96 = vector.broadcast %max3A_95 : f32 to vector<256x2048xf32>
    %max3A_97 = arith.maximumf %dot_general3A_94, %max3A_96 : vector<256x2048xf32>
    %mul3A_98 = arith.mulf %max3A_97, %max3A_97 : vector<256x2048xf32>
    %slice3A_99 = vector.extract_strided_slice %mul3A_98 {offsets = [0, 0], sizes = [64, 2048], strides = [1, 1]} : vector<256x2048xf32> to vector<64x2048xf32>
    %dot_general3A_100 = arith.constant dense<0.000000e+00> : vector<1x2048xf32>
    %dot_general3A_101 = tpu.matmul %mul3A_63, %slice3A_99, %dot_general3A_100 {dimension_numbers = #tpu.dot_dimension_numbers<[1], [0], [0], [1], [0, 0, 1, 1], [], []>, transpose_lhs_hint = false} : vector<1x64xf32>, vector<64x2048xf32>, vector<1x2048xf32> -> vector<1x2048xf32>
    %swap3A_102 = arith.constant 0 : index
    %swap3A_103 = arith.constant 2048 : index
    %swap3A_104 = vector.load %arg6[%swap3A_102, %swap3A_103] : memref<4x8224xf32, #tpu.memory_space<vmem>>, vector<1x2048xf32>
    tpu.vector_store %arg6[%swap3A_102, %swap3A_103], %dot_general3A_101 {strides = array<i32>} : memref<4x8224xf32, #tpu.memory_space<vmem>>, vector<1x2048xf32>,
    %slice3A_105 = vector.extract_strided_slice %mul3A_98 {offsets = [64, 0], sizes = [64, 2048], strides = [1, 1]} : vector<256x2048xf32> to vector<64x2048xf32>
    %dot_general3A_106 = arith.constant dense<0.000000e+00> : vector<1x2048xf32>
    %dot_general3A_107 = tpu.matmul %mul3A_63, %slice3A_105, %dot_general3A_106 {dimension_numbers = #tpu.dot_dimension_numbers<[1], [0], [0], [1], [0, 0, 1, 1], [], []>, transpose_lhs_hint = false} : vector<1x64xf32>, vector<64x2048xf32>, vector<1x2048xf32> -> vector<1x2048xf32>
    %swap3A_108 = arith.constant 1 : index
    %swap3A_109 = arith.constant 2048 : index
    %swap3A_110 = vector.load %arg6[%swap3A_108, %swap3A_109] : memref<4x8224xf32, #tpu.memory_space<vmem>>, vector<1x2048xf32>
    tpu.vector_store %arg6[%swap3A_108, %swap3A_109], %dot_general3A_107 {strides = array<i32>} : memref<4x8224xf32, #tpu.memory_space<vmem>>, vector<1x2048xf32>,
    %slice3A_111 = vector.extract_strided_slice %mul3A_98 {offsets = [128, 0], sizes = [64, 2048], strides = [1, 1]} : vector<256x2048xf32> to vector<64x2048xf32>
    %dot_general3A_112 = arith.constant dense<0.000000e+00> : vector<1x2048xf32>
    %dot_general3A_113 = tpu.matmul %mul3A_63, %slice3A_111, %dot_general3A_112 {dimension_numbers = #tpu.dot_dimension_numbers<[1], [0], [0], [1], [0, 0, 1, 1], [], []>, transpose_lhs_hint = false} : vector<1x64xf32>, vector<64x2048xf32>, vector<1x2048xf32> -> vector<1x2048xf32>
    %swap3A_114 = arith.constant 2 : index
    %swap3A_115 = arith.constant 2048 : index
    %swap3A_116 = vector.load %arg6[%swap3A_114, %swap3A_115] : memref<4x8224xf32, #tpu.memory_space<vmem>>, vector<1x2048xf32>
    tpu.vector_store %arg6[%swap3A_114, %swap3A_115], %dot_general3A_113 {strides = array<i32>} : memref<4x8224xf32, #tpu.memory_space<vmem>>, vector<1x2048xf32>,
    %slice3A_117 = vector.extract_strided_slice %mul3A_98 {offsets = [192, 0], sizes = [64, 2048], strides = [1, 1]} : vector<256x2048xf32> to vector<64x2048xf32>
    %dot_general3A_118 = arith.constant dense<0.000000e+00> : vector<1x2048xf32>
    %dot_general3A_119 = tpu.matmul %mul3A_63, %slice3A_117, %dot_general3A_118 {dimension_numbers = #tpu.dot_dimension_numbers<[1], [0], [0], [1], [0, 0, 1, 1], [], []>, transpose_lhs_hint = false} : vector<1x64xf32>, vector<64x2048xf32>, vector<1x2048xf32> -> vector<1x2048xf32>
    %swap3A_120 = arith.constant 3 : index
    %swap3A_121 = arith.constant 2048 : index
    %swap3A_122 = vector.load %arg6[%swap3A_120, %swap3A_121] : memref<4x8224xf32, #tpu.memory_space<vmem>>, vector<1x2048xf32>
    tpu.vector_store %arg6[%swap3A_120, %swap3A_121], %dot_general3A_119 {strides = array<i32>} : memref<4x8224xf32, #tpu.memory_space<vmem>>, vector<1x2048xf32>,
    %slice3A_123 = vector.extract_strided_slice %get3A_1 {offsets = [0, 4096], sizes = [64, 2048], strides = [1, 1]} : vector<64x8192xf32> to vector<64x2048xf32>
    %dot_general3A_124 = arith.constant dense<0.000000e+00> : vector<256x2048xf32>
    %dot_general3A_125 = tpu.matmul %concatenate3A, %slice3A_123, %dot_general3A_124 {dimension_numbers = #tpu.dot_dimension_numbers<[1], [0], [0], [1], [0, 0, 1, 1], [], []>, transpose_lhs_hint = false} : vector<256x64xf32>, vector<64x2048xf32>, vector<256x2048xf32> -> vector<256x2048xf32>
    %max3A_126 = arith.constant 0.000000e+00 : f32
    %max3A_127 = vector.broadcast %max3A_126 : f32 to vector<256x2048xf32>
    %max3A_128 = arith.maximumf %dot_general3A_125, %max3A_127 : vector<256x2048xf32>
    %mul3A_129 = arith.mulf %max3A_128, %max3A_128 : vector<256x2048xf32>
    %slice3A_130 = vector.extract_strided_slice %mul3A_129 {offsets = [0, 0], sizes = [64, 2048], strides = [1, 1]} : vector<256x2048xf32> to vector<64x2048xf32>
    %dot_general3A_131 = arith.constant dense<0.000000e+00> : vector<1x2048xf32>
    %dot_general3A_132 = tpu.matmul %mul3A_63, %slice3A_130, %dot_general3A_131 {dimension_numbers = #tpu.dot_dimension_numbers<[1], [0], [0], [1], [0, 0, 1, 1], [], []>, transpose_lhs_hint = false} : vector<1x64xf32>, vector<64x2048xf32>, vector<1x2048xf32> -> vector<1x2048xf32>
    %swap3A_133 = arith.constant 0 : index
    %swap3A_134 = arith.constant 4096 : index
    %swap3A_135 = vector.load %arg6[%swap3A_133, %swap3A_134] : memref<4x8224xf32, #tpu.memory_space<vmem>>, vector<1x2048xf32>
    tpu.vector_store %arg6[%swap3A_133, %swap3A_134], %dot_general3A_132 {strides = array<i32>} : memref<4x8224xf32, #tpu.memory_space<vmem>>, vector<1x2048xf32>,
    %slice3A_136 = vector.extract_strided_slice %mul3A_129 {offsets = [64, 0], sizes = [64, 2048], strides = [1, 1]} : vector<256x2048xf32> to vector<64x2048xf32>
    %dot_general3A_137 = arith.constant dense<0.000000e+00> : vector<1x2048xf32>
    %dot_general3A_138 = tpu.matmul %mul3A_63, %slice3A_136, %dot_general3A_137 {dimension_numbers = #tpu.dot_dimension_numbers<[1], [0], [0], [1], [0, 0, 1, 1], [], []>, transpose_lhs_hint = false} : vector<1x64xf32>, vector<64x2048xf32>, vector<1x2048xf32> -> vector<1x2048xf32>
    %swap3A_139 = arith.constant 1 : index
    %swap3A_140 = arith.constant 4096 : index
    %swap3A_141 = vector.load %arg6[%swap3A_139, %swap3A_140] : memref<4x8224xf32, #tpu.memory_space<vmem>>, vector<1x2048xf32>
    tpu.vector_store %arg6[%swap3A_139, %swap3A_140], %dot_general3A_138 {strides = array<i32>} : memref<4x8224xf32, #tpu.memory_space<vmem>>, vector<1x2048xf32>,
    %slice3A_142 = vector.extract_strided_slice %mul3A_129 {offsets = [128, 0], sizes = [64, 2048], strides = [1, 1]} : vector<256x2048xf32> to vector<64x2048xf32>
    %dot_general3A_143 = arith.constant dense<0.000000e+00> : vector<1x2048xf32>
    %dot_general3A_144 = tpu.matmul %mul3A_63, %slice3A_142, %dot_general3A_143 {dimension_numbers = #tpu.dot_dimension_numbers<[1], [0], [0], [1], [0, 0, 1, 1], [], []>, transpose_lhs_hint = false} : vector<1x64xf32>, vector<64x2048xf32>, vector<1x2048xf32> -> vector<1x2048xf32>
    %swap3A_145 = arith.constant 2 : index
    %swap3A_146 = arith.constant 4096 : index
    %swap3A_147 = vector.load %arg6[%swap3A_145, %swap3A_146] : memref<4x8224xf32, #tpu.memory_space<vmem>>, vector<1x2048xf32>
    tpu.vector_store %arg6[%swap3A_145, %swap3A_146], %dot_general3A_144 {strides = array<i32>} : memref<4x8224xf32, #tpu.memory_space<vmem>>, vector<1x2048xf32>,
    %slice3A_148 = vector.extract_strided_slice %mul3A_129 {offsets = [192, 0], sizes = [64, 2048], strides = [1, 1]} : vector<256x2048xf32> to vector<64x2048xf32>
    %dot_general3A_149 = arith.constant dense<0.000000e+00> : vector<1x2048xf32>
    %dot_general3A_150 = tpu.matmul %mul3A_63, %slice3A_148, %dot_general3A_149 {dimension_numbers = #tpu.dot_dimension_numbers<[1], [0], [0], [1], [0, 0, 1, 1], [], []>, transpose_lhs_hint = false} : vector<1x64xf32>, vector<64x2048xf32>, vector<1x2048xf32> -> vector<1x2048xf32>
    %swap3A_151 = arith.constant 3 : index
    %swap3A_152 = arith.constant 4096 : index
    %swap3A_153 = vector.load %arg6[%swap3A_151, %swap3A_152] : memref<4x8224xf32, #tpu.memory_space<vmem>>, vector<1x2048xf32>
    tpu.vector_store %arg6[%swap3A_151, %swap3A_152], %dot_general3A_150 {strides = array<i32>} : memref<4x8224xf32, #tpu.memory_space<vmem>>, vector<1x2048xf32>,
    %slice3A_154 = vector.extract_strided_slice %get3A_1 {offsets = [0, 6144], sizes = [64, 2048], strides = [1, 1]} : vector<64x8192xf32> to vector<64x2048xf32>
    %dot_general3A_155 = arith.constant dense<0.000000e+00> : vector<256x2048xf32>
    %dot_general3A_156 = tpu.matmul %concatenate3A, %slice3A_154, %dot_general3A_155 {dimension_numbers = #tpu.dot_dimension_numbers<[1], [0], [0], [1], [0, 0, 1, 1], [], []>, transpose_lhs_hint = false} : vector<256x64xf32>, vector<64x2048xf32>, vector<256x2048xf32> -> vector<256x2048xf32>
    %max3A_157 = arith.constant 0.000000e+00 : f32
    %max3A_158 = vector.broadcast %max3A_157 : f32 to vector<256x2048xf32>
    %max3A_159 = arith.maximumf %dot_general3A_156, %max3A_158 : vector<256x2048xf32>
    %mul3A_160 = arith.mulf %max3A_159, %max3A_159 : vector<256x2048xf32>
    %slice3A_161 = vector.extract_strided_slice %mul3A_160 {offsets = [0, 0], sizes = [64, 2048], strides = [1, 1]} : vector<256x2048xf32> to vector<64x2048xf32>
    %dot_general3A_162 = arith.constant dense<0.000000e+00> : vector<1x2048xf32>
    %dot_general3A_163 = tpu.matmul %mul3A_63, %slice3A_161, %dot_general3A_162 {dimension_numbers = #tpu.dot_dimension_numbers<[1], [0], [0], [1], [0, 0, 1, 1], [], []>, transpose_lhs_hint = false} : vector<1x64xf32>, vector<64x2048xf32>, vector<1x2048xf32> -> vector<1x2048xf32>
    %swap3A_164 = arith.constant 0 : index
    %swap3A_165 = arith.constant 6144 : index
    %swap3A_166 = vector.load %arg6[%swap3A_164, %swap3A_165] : memref<4x8224xf32, #tpu.memory_space<vmem>>, vector<1x2048xf32>
    tpu.vector_store %arg6[%swap3A_164, %swap3A_165], %dot_general3A_163 {strides = array<i32>} : memref<4x8224xf32, #tpu.memory_space<vmem>>, vector<1x2048xf32>,
    %slice3A_167 = vector.extract_strided_slice %mul3A_160 {offsets = [64, 0], sizes = [64, 2048], strides = [1, 1]} : vector<256x2048xf32> to vector<64x2048xf32>
    %dot_general3A_168 = arith.constant dense<0.000000e+00> : vector<1x2048xf32>
    %dot_general3A_169 = tpu.matmul %mul3A_63, %slice3A_167, %dot_general3A_168 {dimension_numbers = #tpu.dot_dimension_numbers<[1], [0], [0], [1], [0, 0, 1, 1], [], []>, transpose_lhs_hint = false} : vector<1x64xf32>, vector<64x2048xf32>, vector<1x2048xf32> -> vector<1x2048xf32>
    %swap3A_170 = arith.constant 1 : index
    %swap3A_171 = arith.constant 6144 : index
    %swap3A_172 = vector.load %arg6[%swap3A_170, %swap3A_171] : memref<4x8224xf32, #tpu.memory_space<vmem>>, vector<1x2048xf32>
    tpu.vector_store %arg6[%swap3A_170, %swap3A_171], %dot_general3A_169 {strides = array<i32>} : memref<4x8224xf32, #tpu.memory_space<vmem>>, vector<1x2048xf32>,
    %slice3A_173 = vector.extract_strided_slice %mul3A_160 {offsets = [128, 0], sizes = [64, 2048], strides = [1, 1]} : vector<256x2048xf32> to vector<64x2048xf32>
    %dot_general3A_174 = arith.constant dense<0.000000e+00> : vector<1x2048xf32>
    %dot_general3A_175 = tpu.matmul %mul3A_63, %slice3A_173, %dot_general3A_174 {dimension_numbers = #tpu.dot_dimension_numbers<[1], [0], [0], [1], [0, 0, 1, 1], [], []>, transpose_lhs_hint = false} : vector<1x64xf32>, vector<64x2048xf32>, vector<1x2048xf32> -> vector<1x2048xf32>
    %swap3A_176 = arith.constant 2 : index
    %swap3A_177 = arith.constant 6144 : index
    %swap3A_178 = vector.load %arg6[%swap3A_176, %swap3A_177] : memref<4x8224xf32, #tpu.memory_space<vmem>>, vector<1x2048xf32>
    tpu.vector_store %arg6[%swap3A_176, %swap3A_177], %dot_general3A_175 {strides = array<i32>} : memref<4x8224xf32, #tpu.memory_space<vmem>>, vector<1x2048xf32>,
    %slice3A_179 = vector.extract_strided_slice %mul3A_160 {offsets = [192, 0], sizes = [64, 2048], strides = [1, 1]} : vector<256x2048xf32> to vector<64x2048xf32>
    %dot_general3A_180 = arith.constant dense<0.000000e+00> : vector<1x2048xf32>
    %dot_general3A_181 = tpu.matmul %mul3A_63, %slice3A_179, %dot_general3A_180 {dimension_numbers = #tpu.dot_dimension_numbers<[1], [0], [0], [1], [0, 0, 1, 1], [], []>, transpose_lhs_hint = false} : vector<1x64xf32>, vector<64x2048xf32>, vector<1x2048xf32> -> vector<1x2048xf32>
    %swap3A_182 = arith.constant 3 : index
    %swap3A_183 = arith.constant 6144 : index
    %swap3A_184 = vector.load %arg6[%swap3A_182, %swap3A_183] : memref<4x8224xf32, #tpu.memory_space<vmem>>, vector<1x2048xf32>
    tpu.vector_store %arg6[%swap3A_182, %swap3A_183], %dot_general3A_181 {strides = array<i32>} : memref<4x8224xf32, #tpu.memory_space<vmem>>, vector<1x2048xf32>,
    %get3A_185 = arith.constant 0 : index
    %get3A_186 = arith.constant 0 : index
    %get3A_187 = arith.constant 0 : index
    %get3A_188 = vector.load %arg2[%get3A_185, %get3A_186, %get3A_187] : memref<4x64x32xf32, #tpu.memory_space<vmem>>, vector<1x64x32xf32>
    %get3A_189 = vector.shape_cast %get3A_188 : vector<1x64x32xf32> to vector<64x32xf32>
    %dot_general3A_190 = arith.constant dense<0.000000e+00> : vector<64x32xf32>
    %dot_general3A_191 = tpu.matmul %mul3A_14, %get3A_189, %dot_general3A_190 {dimension_numbers = #tpu.dot_dimension_numbers<[1], [0], [0], [1], [0, 0, 1, 1], [], []>, transpose_lhs_hint = false} : vector<64x64xf32>, vector<64x32xf32>, vector<64x32xf32> -> vector<64x32xf32>
    %max3A_192 = arith.constant 0.000000e+00 : f32
    %max3A_193 = vector.broadcast %max3A_192 : f32 to vector<64x32xf32>
    %max3A_194 = arith.maximumf %dot_general3A_191, %max3A_193 : vector<64x32xf32>
    %mul3A_195 = arith.mulf %max3A_194, %max3A_194 : vector<64x32xf32>
    %dot_general3A_196 = arith.constant dense<0.000000e+00> : vector<1x32xf32>
    %dot_general3A_197 = tpu.matmul %mul3A_63, %mul3A_195, %dot_general3A_196 {dimension_numbers = #tpu.dot_dimension_numbers<[1], [0], [0], [1], [0, 0, 1, 1], [], []>, transpose_lhs_hint = false} : vector<1x64xf32>, vector<64x32xf32>, vector<1x32xf32> -> vector<1x32xf32>
    %swap3A_198 = arith.constant 0 : index
    %swap3A_199 = arith.constant 8192 : index
    %swap3A_200 = vector.load %arg6[%swap3A_198, %swap3A_199] : memref<4x8224xf32, #tpu.memory_space<vmem>>, vector<1x32xf32>
    tpu.vector_store %arg6[%swap3A_198, %swap3A_199], %dot_general3A_197 {strides = array<i32>} : memref<4x8224xf32, #tpu.memory_space<vmem>>, vector<1x32xf32>,
    %get3A_201 = arith.constant 1 : index
    %get3A_202 = arith.constant 0 : index
    %get3A_203 = arith.constant 0 : index
    %get3A_204 = vector.load %arg2[%get3A_201, %get3A_202, %get3A_203] : memref<4x64x32xf32, #tpu.memory_space<vmem>>, vector<1x64x32xf32>
    %get3A_205 = vector.shape_cast %get3A_204 : vector<1x64x32xf32> to vector<64x32xf32>
    %dot_general3A_206 = arith.constant dense<0.000000e+00> : vector<64x32xf32>
    %dot_general3A_207 = tpu.matmul %mul3A_29, %get3A_205, %dot_general3A_206 {dimension_numbers = #tpu.dot_dimension_numbers<[1], [0], [0], [1], [0, 0, 1, 1], [], []>, transpose_lhs_hint = false} : vector<64x64xf32>, vector<64x32xf32>, vector<64x32xf32> -> vector<64x32xf32>
    %max3A_208 = arith.constant 0.000000e+00 : f32
    %max3A_209 = vector.broadcast %max3A_208 : f32 to vector<64x32xf32>
    %max3A_210 = arith.maximumf %dot_general3A_207, %max3A_209 : vector<64x32xf32>
    %mul3A_211 = arith.mulf %max3A_210, %max3A_210 : vector<64x32xf32>
    %dot_general3A_212 = arith.constant dense<0.000000e+00> : vector<1x32xf32>
    %dot_general3A_213 = tpu.matmul %mul3A_63, %mul3A_211, %dot_general3A_212 {dimension_numbers = #tpu.dot_dimension_numbers<[1], [0], [0], [1], [0, 0, 1, 1], [], []>, transpose_lhs_hint = false} : vector<1x64xf32>, vector<64x32xf32>, vector<1x32xf32> -> vector<1x32xf32>
    %swap3A_214 = arith.constant 1 : index
    %swap3A_215 = arith.constant 8192 : index
    %swap3A_216 = vector.load %arg6[%swap3A_214, %swap3A_215] : memref<4x8224xf32, #tpu.memory_space<vmem>>, vector<1x32xf32>
    tpu.vector_store %arg6[%swap3A_214, %swap3A_215], %dot_general3A_213 {strides = array<i32>} : memref<4x8224xf32, #tpu.memory_space<vmem>>, vector<1x32xf32>,
    %get3A_217 = arith.constant 2 : index
    %get3A_218 = arith.constant 0 : index
    %get3A_219 = arith.constant 0 : index
    %get3A_220 = vector.load %arg2[%get3A_217, %get3A_218, %get3A_219] : memref<4x64x32xf32, #tpu.memory_space<vmem>>, vector<1x64x32xf32>
    %get3A_221 = vector.shape_cast %get3A_220 : vector<1x64x32xf32> to vector<64x32xf32>
    %dot_general3A_222 = arith.constant dense<0.000000e+00> : vector<64x32xf32>
    %dot_general3A_223 = tpu.matmul %mul3A_44, %get3A_221, %dot_general3A_222 {dimension_numbers = #tpu.dot_dimension_numbers<[1], [0], [0], [1], [0, 0, 1, 1], [], []>, transpose_lhs_hint = false} : vector<64x64xf32>, vector<64x32xf32>, vector<64x32xf32> -> vector<64x32xf32>
    %max3A_224 = arith.constant 0.000000e+00 : f32
    %max3A_225 = vector.broadcast %max3A_224 : f32 to vector<64x32xf32>
    %max3A_226 = arith.maximumf %dot_general3A_223, %max3A_225 : vector<64x32xf32>
    %mul3A_227 = arith.mulf %max3A_226, %max3A_226 : vector<64x32xf32>
    %dot_general3A_228 = arith.constant dense<0.000000e+00> : vector<1x32xf32>
    %dot_general3A_229 = tpu.matmul %mul3A_63, %mul3A_227, %dot_general3A_228 {dimension_numbers = #tpu.dot_dimension_numbers<[1], [0], [0], [1], [0, 0, 1, 1], [], []>, transpose_lhs_hint = false} : vector<1x64xf32>, vector<64x32xf32>, vector<1x32xf32> -> vector<1x32xf32>
    %swap3A_230 = arith.constant 2 : index
    %swap3A_231 = arith.constant 8192 : index
    %swap3A_232 = vector.load %arg6[%swap3A_230, %swap3A_231] : memref<4x8224xf32, #tpu.memory_space<vmem>>, vector<1x32xf32>
    tpu.vector_store %arg6[%swap3A_230, %swap3A_231], %dot_general3A_229 {strides = array<i32>} : memref<4x8224xf32, #tpu.memory_space<vmem>>, vector<1x32xf32>,
    %get3A_233 = arith.constant 3 : index
    %get3A_234 = arith.constant 0 : index
    %get3A_235 = arith.constant 0 : index
    %get3A_236 = vector.load %arg2[%get3A_233, %get3A_234, %get3A_235] : memref<4x64x32xf32, #tpu.memory_space<vmem>>, vector<1x64x32xf32>
    %get3A_237 = vector.shape_cast %get3A_236 : vector<1x64x32xf32> to vector<64x32xf32>
    %dot_general3A_238 = arith.constant dense<0.000000e+00> : vector<64x32xf32>
    %dot_general3A_239 = tpu.matmul %mul3A_59, %get3A_237, %dot_general3A_238 {dimension_numbers = #tpu.dot_dimension_numbers<[1], [0], [0], [1], [0, 0, 1, 1], [], []>, transpose_lhs_hint = false} : vector<64x64xf32>, vector<64x32xf32>, vector<64x32xf32> -> vector<64x32xf32>
    %max3A_240 = arith.constant 0.000000e+00 : f32
    %max3A_241 = vector.broadcast %max3A_240 : f32 to vector<64x32xf32>
    %max3A_242 = arith.maximumf %dot_general3A_239, %max3A_241 : vector<64x32xf32>
    %mul3A_243 = arith.mulf %max3A_242, %max3A_242 : vector<64x32xf32>
    %dot_general3A_244 = arith.constant dense<0.000000e+00> : vector<1x32xf32>
    %dot_general3A_245 = tpu.matmul %mul3A_63, %mul3A_243, %dot_general3A_244 {dimension_numbers = #tpu.dot_dimension_numbers<[1], [0], [0], [1], [0, 0, 1, 1], [], []>, transpose_lhs_hint = false} : vector<1x64xf32>, vector<64x32xf32>, vector<1x32xf32> -> vector<1x32xf32>
    %swap3A_246 = arith.constant 3 : index
    %swap3A_247 = arith.constant 8192 : index
    %swap3A_248 = vector.load %arg6[%swap3A_246, %swap3A_247] : memref<4x8224xf32, #tpu.memory_space<vmem>>, vector<1x32xf32>
    tpu.vector_store %arg6[%swap3A_246, %swap3A_247], %dot_general3A_245 {strides = array<i32>} : memref<4x8224xf32, #tpu.memory_space<vmem>>, vector<1x32xf32>,
    %get3A_249 = arith.constant 0 : index
    %get3A_250 = arith.constant 0 : index
    %get3A_251 = vector.load %arg6[%get3A_249, %get3A_250] : memref<4x8224xf32, #tpu.memory_space<vmem>>, vector<4x8224xf32>
    %reduce_max3A = arith.constant dense<0xFF800000> : vector<4xf32>
    %reduce_max3A_252 = vector.multi_reduction <maximumf>, %get3A_251, %reduce_max3A [1] : vector<4x8224xf32> to vector<4xf32>
    %broadcast_in_dim3A_253 = vector.shape_cast %reduce_max3A_252 : vector<4xf32> to vector<4x1xf32>
    %sub3A = vector.broadcast %broadcast_in_dim3A_253 : vector<4x1xf32> to vector<4x8224xf32>
    %sub3A_254 = arith.subf %get3A_251, %sub3A : vector<4x8224xf32>
    %exp3A = math.exp %sub3A_254 : vector<4x8224xf32>
    %reduce_sum3A = arith.constant dense<0.000000e+00> : vector<4xf32>
    %reduce_sum3A_255 = vector.multi_reduction <add>, %exp3A, %reduce_sum3A [1] : vector<4x8224xf32> to vector<4xf32>
    %broadcast_in_dim3A_256 = vector.shape_cast %reduce_sum3A_255 : vector<4xf32> to vector<4x1xf32>
    %log3A = math.log %broadcast_in_dim3A_256 : vector<4x1xf32>
    %sub3A_257 = vector.broadcast %log3A : vector<4x1xf32> to vector<4x8224xf32>
    %sub3A_258 = arith.subf %sub3A_254, %sub3A_257 : vector<4x8224xf32>
    %swap3A_259 = arith.constant 0 : index
    %swap3A_260 = arith.constant 0 : index
    %swap3A_261 = arith.constant 0 : index
    %swap3A_262 = vector.load %arg5[%swap3A_259, %swap3A_260, %swap3A_261] : memref<1x4x8224xf32, #tpu.memory_space<vmem>>, vector<1x4x8224xf32>
    %swap3A_263 = vector.shape_cast %swap3A_262 : vector<1x4x8224xf32> to vector<4x8224xf32>
    %swap3A_264 = vector.shape_cast %sub3A_258 : vector<4x8224xf32> to vector<1x4x8224xf32>
    tpu.vector_store %arg5[%swap3A_259, %swap3A_260, %swap3A_261], %swap3A_264 {strides = array<i32>} : memref<1x4x8224xf32, #tpu.memory_space<vmem>>, vector<1x4x8224xf32>,
    return
  }
  func.func @transform_0(%arg0: i32) -> (i32, i32) {
    %c0_i32 = arith.constant 0 : i32
    %c0_i32_0 = arith.constant 0 : i32
    %c0_i32_1 = arith.constant 0 : i32
    return %c0_i32, %c0_i32_0 : i32, i32
  }
  func.func @transform_1(%arg0: i32) -> (i32, i32, i32) {
    %c0_i32 = arith.constant 0 : i32
    %c0_i32_0 = arith.constant 0 : i32
    %c0_i32_1 = arith.constant 0 : i32
    return %arg0, %c0_i32, %c0_i32_0 : i32, i32, i32
  }
  func.func @transform_2(%arg0: i32) -> (i32, i32, i32) {
    %c0_i32 = arith.constant 0 : i32
    %c0_i32_0 = arith.constant 0 : i32
    %c0_i32_1 = arith.constant 0 : i32
    return %arg0, %c0_i32, %c0_i32_0 : i32, i32, i32
  }
  func.func @transform_3(%arg0: i32) -> (i32, i32, i32) {
    %c0_i32 = arith.constant 0 : i32
    %c0_i32_0 = arith.constant 0 : i32
    %c0_i32_1 = arith.constant 0 : i32
    return %arg0, %c0_i32, %c0_i32_0 : i32, i32, i32
  }
  func.func @transform_4(%arg0: i32) -> (i32, i32, i32) {
    %c0_i32 = arith.constant 0 : i32
    %c0_i32_0 = arith.constant 0 : i32
    %c0_i32_1 = arith.constant 0 : i32
    return %arg0, %c0_i32, %c0_i32_0 : i32, i32, i32
  }
}

</mosaic_0001>

<sc_bundles>
// kernel: kernel.8.cloned.1.call-start
scs
__scs_entry_jumppad:
0x0: {  	(pc) =	sbr.rel $0x88, $3  }
0x1: {  	(tag) =	ssettag $0x0;
	lr =	simm.s32 $0x1  }
0x2: {  	[smem:$0x3F94] =	sst lr;
	_ =	strace $0xD0000000  }
0x3: {  	_ = 	snop  }
0x4: {  	_ = 	snop  }
0x5: {  	_ = 	snop  }
0x6: {  	_ = 	snop  }
0x7: {  	_ = 	snop  }
__scs_overlays_trampoline_lowered:
0x8: {  	[smem:$0x3FA3] =	sst s0  }
0x9: {  	[smem:$0x3FA4] =	sst s1  }
0xa: {  	[smem:$0x3FA5] =	sst s2  }
0xb: {  	[smem:$0x3FA6] =	sst s3  }
0xc: {  	[smem:$0x3FA7] =	sst s4  }
0xd: {  	[smem:$0x3FA8] =	sst s5  }
0xe: {  	[smem:$0x3FA9] =	sst s6  }
0xf: {  	[smem:$0x3FAA] =	sst s7  }
0x10: {  	[smem:$0x3FAB] =	sst s8  }
0x11: {  	[smem:$0x3FAC] =	sst s9;
	s0 =	simm.s32 @!p0 $0x0  }
0x12: {  	s1 =	sld [smem:$0x3F92];
	s0 =	simm.s32 @p0 $0x1  }
0x13: {  	[smem:$0x3FAD] =	sst s0;
	s0 =	simm.s32 @!p1 $0x0  }
0x14: {  	s2 =	sld [smem:$0x3F91];
	s0 =	simm.s32 @p1 $0x1  }
0x15: {  	[smem:$0x3FAE] =	sst s0;
	s0 =	simm.s32 @!p2 $0x0  }
0x16: {  	s3 =	sld [smem:$0x3FDB];
	s0 =	simm.s32 @p2 $0x1  }
0x17: {  	s4 =	simm.s32 $0x1BF5;
	[smem:$0x3FB0] =	sst s0  }
0x18: {  	s0 =	sld [smem:$0x3F93];
	_ =	swait.ge [sflag:s4], $0x0  }
0x19: {  	s7 =	sld [smem:$0x3F94]  }
0x1a: {  	s8 =	sadd.s32 $0xFFFFE003, lr  }
0x1b: {  	s9 =	sadd.s32 $0xFFFFFEF7, lr;
	s5 =	simm.s32 $0xFFFFFFFF;
	p2 =	slt.u32 s8, $0xFFFFF086  }
0x1c: {  	p1 =	slt.u32 s9, $0xF7A;
	s5 =	simm.s32 @!p2 $0x0  }
0x1d: {  	s5 =	simm.s32 @p1 $0x1;
	p0 =	seq.s32 s7, s2  }
0x1e: {  	s7 =	smul.u32 @!p0 $0xF7A, s2;
	p2 =	seq.s32 @!p0 s5, $0x0  }
0x1f: {  	s9 =	smul.u32 $0xF7A, s1;
	s8 =	simm.s32 @!p0 $0x1BF5;
	p2 =	por !p2, p0  }
0x20: {  	[sflag:s8] =	ssyncset.s32 @!p0 $0xFFFFF086;
	s6 =	sadd.s32 @!p0 s3, s7;
	s7 =	simm.s32 @!p0 $0x108  }
0x21: {  	s3 =	sadd.s32 s3, s9;
	s6 =	sadd.s32 @!p0 $0x88, s6;
	s7 =	simm.s32 @p2 $0x1082  }
0x22: {  	[simem:s7], [sflag:s8] =	dma.local @!p0 [hbm:s6], $0xF7A  }
0x23: {  	s9 =	sor.u32 $0xD0000000, s2;
	s6 =	simm.s32 $0x108;
	_ =	swait.ge @!p0 [sflag:s8], $0x0  }
0x24: {  	s3 =	sadd.s32 $0x88, s3;
	s6 =	simm.s32 @!p1 $0x1082;
	[sflag:s4] =	ssyncset.s32 $0xFFFFF086  }
0x25: {  	[simem:s6], [sflag:s4] =	dma.local [hbm:s3], $0xF7A  }
0x26: {  	[smem:$0x3F94] =	sst s1;
	(tag) =	ssettag s2;
	_ =	strace s9  }
0x27: {  	s1 =	sld [smem:$0x3FA4]  }
0x28: {  	s2 =	sld [smem:$0x3FA5]  }
0x29: {  	s4 =	sld [smem:$0x3FA7]  }
0x2a: {  	p0 =	seq.s32 s5, $0x0;
	s5 =	sld [smem:$0x3FA8]  }
0x2b: {  	s6 =	sld [smem:$0x3FA9]  }
0x2c: {  	s7 =	sld [smem:$0x3FAA]  }
0x2d: {  	s3 =	simm.s32 $0x108;
	s8 =	sld [smem:$0x3FAB]  }
0x2e: {  	s3 =	simm.s32 @!p0 $0x1082;
	s9 =	sld [smem:$0x3FAC]  }
0x2f: {  	lr =	sadd.s32 s0, s3;
	s0 =	sld [smem:$0x3FA3]  }
0x30: {  	s3 =	sld [smem:$0x3FA6]  }
0x31: {  	[smem:$0x3FAF] =	sst s10  }
0x32: {  	s10 =	sld [smem:$0x3FAD];
	_ =	sdelay $0x3  }
0x33: {  	p0 =	seq.s32 s10, $0x1;
	s10 =	sld [smem:$0x3FAF];
	_ =	sdelay $0x3  }
0x34: {  	[smem:$0x3FAF] =	sst s10  }
0x35: {  	s10 =	sld [smem:$0x3FAE];
	_ =	sdelay $0x3  }
0x36: {  	p1 =	seq.s32 s10, $0x1;
	s10 =	sld [smem:$0x3FAF];
	_ =	sdelay $0x3  }
0x37: {  	[smem:$0x3FAF] =	sst s10  }
0x38: {  	s10 =	sld [smem:$0x3FB0]  }
0x39: {  	_ = 	snop;
	(pc) =	sbr.ind lr, $3  }
0x3a: {  	_ = 	snop  }
0x3b: {  	_ = 	snop  }
0x3c: {  	p2 =	seq.s32 s10, $0x1;
	s10 =	sld [smem:$0x3FAF]  }
0x3d: {  	_ =	shalt  }
0x3e: {  	_ =	shalt  }
0x3f: {  	_ =	shalt  }
0x40: {  	_ =	shalt  }
0x41: {  	_ =	shalt  }
0x42: {  	_ =	shalt  }
0x43: {  	_ =	shalt  }
0x44: {  	_ =	shalt  }
0x45: {  	_ =	shalt  }
0x46: {  	_ =	shalt  }
0x47: {  	_ =	shalt  }
0x48: {  	_ =	shalt  }
0x49: {  	_ =	shalt  }
0x4a: {  	_ =	shalt  }
0x4b: {  	_ =	shalt  }
0x4c: {  	_ =	shalt  }
0x4d: {  	_ =	shalt  }
0x4e: {  	_ =	shalt  }
0x4f: {  	_ =	shalt  }
0x50: {  	_ =	shalt  }
0x51: {  	_ =	shalt  }
0x52: {  	_ =	shalt  }
0x53: {  	_ =	shalt  }
0x54: {  	_ =	shalt  }
0x55: {  	_ =	shalt  }
0x56: {  	_ =	shalt  }
0x57: {  	_ =	shalt  }
0x58: {  	_ =	shalt  }
0x59: {  	_ =	shalt  }
0x5a: {  	_ =	shalt  }
0x5b: {  	_ =	shalt  }
0x5c: {  	_ =	shalt  }
0x5d: {  	_ =	shalt  }
0x5e: {  	_ =	shalt  }
0x5f: {  	_ =	shalt  }
0x60: {  	_ =	shalt  }
0x61: {  	_ =	shalt  }
0x62: {  	_ =	shalt  }
0x63: {  	_ =	shalt  }
0x64: {  	_ =	shalt  }
0x65: {  	_ =	shalt  }
0x66: {  	_ =	shalt  }
0x67: {  	_ =	shalt  }
0x68: {  	_ =	shalt  }
0x69: {  	_ =	shalt  }
0x6a: {  	_ =	shalt  }
0x6b: {  	_ =	shalt  }
0x6c: {  	_ =	shalt  }
0x6d: {  	_ =	shalt  }
0x6e: {  	_ =	shalt  }
0x6f: {  	_ =	shalt  }
0x70: {  	_ =	shalt  }
0x71: {  	_ =	shalt  }
0x72: {  	_ =	shalt  }
0x73: {  	_ =	shalt  }
0x74: {  	_ =	shalt  }
0x75: {  	_ =	shalt  }
0x76: {  	_ =	shalt  }
0x77: {  	_ =	shalt  }
0x78: {  	_ =	shalt  }
0x79: {  	_ =	shalt  }
0x7a: {  	_ =	shalt  }
0x7b: {  	_ =	shalt  }
0x7c: {  	_ =	shalt  }
0x7d: {  	_ =	shalt  }
0x7e: {  	_ =	shalt  }
0x7f: {  	_ =	shalt  }
0x80: {  	_ =	shalt  }
0x81: {  	_ =	shalt  }
0x82: {  	_ =	shalt  }
0x83: {  	_ =	shalt  }
0x84: {  	_ =	shalt  }
0x85: {  	_ =	shalt  }
0x86: {  	_ =	shalt  }
0x87: {  	_ =	shalt  }
.Lfunc_end0:
.L_simem_size_0:
called_computation_lowered:
.L_overlay_start_0:
0x88: {  	s2 =	sld [smem:$0x3FD9]  }
0x89: {  	s3 =	sld [smem:$0x3FFE];
	_ =	sdelay $0x1  }
0x8a: {  	s1 =	srdreg.scid  }
0x8b: {  	s0 =	sand.u32 $0x1, s1  }
0x8c: {  	s17 =	sshll.u32 s0, $0xA;
	s2 =	sadd.s32 s3, s2  }
0x8d: {  	s2 =	sadd.s32 s2, s17  }
0x8e: {  	[smem:$0x3FBB] =	sst s2  }
0x8f: {  	_ = 	snop  }
0x90: {  	s2 =	sld [smem:$0x3FD0];
	(tm) =	ssettm $0x1  }
0x91: {  	s18 =	sld [smem:$0x3FFB];
	_ =	sdelay $0x3  }
0x92: {  	_ =	strace s18  }
0x93: {  	s3 =	sld [smem:$0x3FFC];
	_ =	sdelay $0x3  }
0x94: {  	_ =	strace s3  }
0x95: {  	s3 =	sld [smem:$0x3FFD];
	_ =	sdelay $0x3  }
0x96: {  	_ =	strace s3  }
0x97: {  	_ =	strace $0x8FFFFFFF  }
0x98: {  	s19 =	sld [smem:$0x3FDB];
	_ =	sdelay $0x1  }
0x99: {  	s4 =	simm.s32 $_scs_section_size  }
0x9a: {  	s5 =	simm.s32 $_size__tile_overlayer_lowered;
	s6 =	simm.s32 $_tile_overlayer_lowered  }
0x9b: {  	s22 =	simm.s32 $0x1BFF;
	s21 =	sshll.u32 s6, $0x1;
	s3 =	sadd.s32 s4, s19  }
0x9c: {  	s7 =	simm.s32 $0x0;
	s20 =	sshll.u32 s5, $0x1;
	s5 =	sadd.s32 s21, s3  }
0x9d: {  	[timem:s7], [sflag:s22] =	dma.local [hbm:s5], s20  }
0x9e: {  	_ =	swait.ge [sflag:s22], s20  }
0x9f: {  	s4 =	ssub.s32 $0x0, s20;
	[sflag:s22] =	ssyncset.done $0x0  }
0xa0: {  	[sflag:s22] =	ssyncadd.s32 s4;
	_ =	sdelay $0x1  }
0xa1: {  	s23 =	simm.s32 $0x1B8B  }
0xa2: {  	_ =	swait.ge [sflag:s23], $0x1  }
0xa3: {  	[sflag:s23] =	ssyncset.done $0x0  }
0xa4: {  	s25 =	simm.s32 $0x1B8E;
	s24 =	sld [smem:$0x3FFE];
	[sflag:s23] =	ssyncadd.s32 $0xFFFFFFFF  }
0xa5: {  	s26 =	simm.s32 $execute0_lowered;
	[smem:$0x3FD2] =	sst s25  }
0xa6: {  	s5 =	sshll.u32 s26, $0x1;
	_ =	strace $0x80000046;
	[dreg:$0x1] =	wrdreg $0xFFFFFFFF  }
0xa7: {  	s28 =	simm.s32 $_size_execute0_lowered;
	s3 =	sadd.s32 s3, s5;
	[dreg:$0x0] =	wrdreg $0x0  }
0xa8: {  	s5 =	sshll.u32 s28, $0x1;
	[dreg:$0x2] =	wrdreg s3  }
0xa9: {  	[dreg:$0x3] =	wrdreg s5  }
0xaa: {  	[dreg:$0x4] =	wrdreg $0xC0  }
0xab: {  	_ =	task [dreg:s7], $0x5FFFF  }
0xac: {  	[dreg:$0x1] =	wrdreg $0xFFFFFFFF  }
0xad: {  	[dreg:$0x0] =	wrdreg $0x60  }
0xae: {  	[dreg:$0x2] =	wrdreg s24  }
0xaf: {  	[dreg:$0x3] =	wrdreg s2  }
0xb0: {  	[dreg:$0x4] =	wrdreg $0x9  }
0xb1: {  	_ =	task.clear_ibuf [dreg:s7], $0x5FFFF;
	_ =	strace $0x90000046  }
0xb2: {  	s29 =	simm.s32 $0x9;
	_ =	strace $0x80000048  }
0xb3: {  	_ =	swait.ge [sflag:s29], $0x1  }
0xb4: {  	[sflag:s29] =	ssyncadd.s32 $0xFFFFFFFF  }
0xb5: {  	_ =	strace $0x90000048  }
0xb6: {  	_ =	sfence  }
0xb7: {  	s30 =	sld [smem:$0x0];
	_ =	sdelay $0x2  }
0xb8: {  	s31 =	sshll.u32 s1, $0xD;
	s1 =	sshrl.u32 s1, $0x2  }
0xb9: {  	s3 =	sand.u32 $0x4000, s31;
	s1 =	sadd.s32 s1, s30  }
0xba: {  	s0 =	sor.u32 s3, s0;
	s1 =	sshll.u32 s1, $0x11  }
0xbb: {  	s0 =	sor.u32 s1, s0  }
0xbc: {  	s0 =	sadd.s32 $0x8F2B, s0  }
0xbd: {  	[sflag:s0] =	ssyncadd.remote.s32 $0x1  }
0xbe: {  	_ =	sfence.sel $0xFFFF  }
0xbf: {  	[dreg:$0x0] =	wrdreg $0xFFFFFFFF;
	(pc) =	sbr.abs _section_cstart, $3  }
0xc0: {  	[dreg:$0x1] =	wrdreg $0xFFFFFFFF  }
0xc1: {  	_ =	task.clear_ibuf [dreg:s7], $0x2FFFF;
	_ =	strace $0x9FFFFFFF  }
0xc2: {  	(tm) =	ssettm $0x7FFFFFFF  }
0xc3: {  	_ =	shalt  }
tec
execute0_lowered:
.L_overlay_start_1:
0x0: {  	(tag) =	ssettag $0x1  }
0x1: {  	s1 =	srdreg.scid;
	s0 =	stileid.u32  }
0x2: {  	s15 =	rddreg [dreg:$0x0];
	s14 =	sand.u32 $0x1, s1;
	s28 =	sshll.u32 s0, $0x1  }
0x3: {  	s16 =	rddreg [dreg:$0x1];
	s17 =	sor.u32 s14, s28  }
0x4: {  	s2 =	simm.s32 $0x0;
	s1 =	rddreg [dreg:$0x2];
	s3 =	sshll.u32 s17, $0x2  }
0x5: {  	[smem:$0x7FF] =	sst s2;
	s3 =	sadd.s32 s3, s15  }
0x6: {  	_ =	strace $0x80000047;
	s4 =	sadd.s32 $0x3C00, s3;
	s3 =	simm.s32 $0x2  }
0x7: {  	[tilespmem:s2], [sflag:$0x2] =	stream.linear.gather [hbm4b:s4+s2], $0x20, $0x38;
	[tilespmem:$0x9180] =	vst v63  }
0x8: {  	s5 =	sshll.u32 s17, $0x5;
	_ =	swait.ge [sflag:s3], $0x20  }
0x9: {  	s5 =	sadd.s32 s5, s15;
	[sflag:s3] =	ssyncset.done $0x0  }
0xa: {  	s6 =	simm.s32 $0x80;
	s5 =	sadd.s32 $0x3E00, s5;
	[sflag:s3] =	ssyncadd.s32 $0xFFFFFFE0  }
0xb: {  	[tilespmem:s6], [sflag:$0x2] =	stream.linear.gather [hbm4b:s5+s2], $0x100, $0x38;
	[tilespmem:$0x9180] =	vst v63  }
0xc: {  	_ =	swait.ge [sflag:s3], $0x100  }
0xd: {  	s9 =	simm.s32 $0x20;
	s10 =	simm.s32 $0x180;
	[sflag:s3] =	ssyncset.done $0x0  }
0xe: {  	s11 =	simm.s32 $0x100;
	s7 =	sadd.s32 $0x18AC00, s15;
	[sflag:s3] =	ssyncadd.s32 $0xFFFFFF00  }
0xf: {  	[tilespmem:s10], [sflag:$0x1] =	stream.indirect.gather [hbm4b:s7+s9], $0x80, s2, s9, $0xb8;
	[tilespmem:$0x9180] =	vst v63  }
0x10: {  	s12 =	simm.s32 $0x1180;
	s13 =	simm.s32 $0x1;
	s8 =	sadd.s32 $0x4200, s15  }
0x11: {  	[tilespmem:s12], [sflag:$0x1] =	stream.indirect.gather [hbm4b:s8+s11], $0x80, s6, s11, $0xb8;
	[tilespmem:$0x9180] =	vst v63  }
0x12: {  	_ =	swait.ge [sflag:s13], $0x1000  }
0x13: {  	[sflag:s13] =	ssyncset.done $0x0  }
0x14: {  	s19 =	ssub.s32 $0x2, s14;
	[sflag:s13] =	ssyncadd.s32 $0xFFFFF000  }
0x15: {  	s30 =	sshrl.u32 s19, $0x1;
	_ =	swait.ge [sflag:s13], $0x8000  }
0x16: {  	s18 =	sshll.u32 s17, $0x9;
	s31 =	ssub.s32 s19, s30;
	[sflag:s13] =	ssyncset.done $0x0  }
0x17: {  	s14 =	sadd.s32 s16, s18;
	s16 =	smax.u32 s31, $0x1;
	[sflag:s13] =	ssyncadd.s32 $0xFFFF8000  }
0x18: {  	[hbm4b:s14+s2] =	stream.linear.scatter [tilespmem:s10], [sflag:$0x2], $0x1000, $0x38;
	[tilespmem:$0x9180] =	vst v63  }
0x19: {  	s29 =	sshll.u32 s17, $0xC;
	p0 =	sne.s32 s16, $0x1;
	_ =	swait.ge [sflag:s3], $0x1000  }
.Ltmp0:
0x1a: {  	s15 =	sadd.s32 s29, s15;
	[sflag:s3] =	ssyncset.done $0x0;
	(pc) =	sbr.rel @!p0 .LBB2_2-.Ltmp0, $4  }
0x1b: {  	s15 =	sadd.s32 $0x6200, s15;
	[sflag:s3] =	ssyncadd.s32 $0xFFFFF000  }
0x1c: {  	[hbm4b:s15+s2] =	stream.linear.scatter [tilespmem:s12], [sflag:$0x2], $0x8000, $0x38;
	[tilespmem:$0x9180] =	vst v63  }
0x1d: {  	_ =	swait.ge [sflag:s3], $0x8000  }
0x1e: {  	s16 =	sadd.s32 $0xFFFFFFFF, s16;
	[sflag:s3] =	ssyncset.done $0x0  }
.LBB2_1:
0x1f: {  	p0 =	sne.s32 s16, $0x1;
	s16 =	sadd.s32 $0xFFFFFFFF, s16;
	[sflag:s3] =	ssyncadd.s32 $0xFFFF8000  }
0x20: {  	[tilespmem:s2], [sflag:$0x2] =	stream.linear.gather [hbm4b:s4+s2], $0x20, $0x38;
	[tilespmem:$0x9180] =	vst v63  }
0x21: {  	_ =	swait.ge [sflag:s3], $0x20  }
0x22: {  	[sflag:s3] =	ssyncset.done $0x0  }
0x23: {  	[sflag:s3] =	ssyncadd.s32 $0xFFFFFFE0  }
0x24: {  	[tilespmem:s6], [sflag:$0x2] =	stream.linear.gather [hbm4b:s5+s2], $0x100, $0x38;
	[tilespmem:$0x9180] =	vst v63  }
0x25: {  	_ =	swait.ge [sflag:s3], $0x100  }
0x26: {  	[sflag:s3] =	ssyncset.done $0x0  }
0x27: {  	[sflag:s3] =	ssyncadd.s32 $0xFFFFFF00  }
0x28: {  	[tilespmem:s10], [sflag:$0x1] =	stream.indirect.gather [hbm4b:s7+s9], $0x80, s2, s9, $0xb8;
	[tilespmem:$0x9180] =	vst v63  }
0x29: {  	_ = 	snop  }
0x2a: {  	[tilespmem:s12], [sflag:$0x1] =	stream.indirect.gather [hbm4b:s8+s11], $0x80, s6, s11, $0xb8;
	[tilespmem:$0x9180] =	vst v63  }
0x2b: {  	_ =	swait.ge [sflag:s13], $0x1000  }
0x2c: {  	[sflag:s13] =	ssyncset.done $0x0  }
0x2d: {  	[sflag:s13] =	ssyncadd.s32 $0xFFFFF000  }
0x2e: {  	_ =	swait.ge [sflag:s13], $0x8000  }
0x2f: {  	[sflag:s13] =	ssyncset.done $0x0  }
0x30: {  	[sflag:s13] =	ssyncadd.s32 $0xFFFF8000  }
0x31: {  	[hbm4b:s14+s2] =	stream.linear.scatter [tilespmem:s10], [sflag:$0x2], $0x1000, $0x38;
	[tilespmem:$0x9180] =	vst v63  }
0x32: {  	_ =	swait.ge [sflag:s3], $0x1000  }
.Ltmp1:
0x33: {  	[sflag:s3] =	ssyncset.done $0x0;
	(pc) =	sbr.rel @p0 .LBB2_1-.Ltmp1, $4  }
0x34: {  	[sflag:s3] =	ssyncadd.s32 $0xFFFFF000  }
0x35: {  	[hbm4b:s15+s2] =	stream.linear.scatter [tilespmem:s12], [sflag:$0x2], $0x8000, $0x38;
	[tilespmem:$0x9180] =	vst v63  }
0x36: {  	_ =	swait.ge [sflag:s3], $0x8000  }
0x37: {  	[sflag:s3] =	ssyncset.done $0x0  }
.LBB2_2:
0x38: {  	[sflag:s3] =	ssyncadd.s32 $0xFFFF8000  }
0x39: {  	_ =	sfence.sel $0x180000  }
0x3a: {  	[bflag:$0x0] =	sbarrier.arrive $0xFFFF  }
0x3b: {  	p0 =	sne.s32 s0, $0x0;
	_ =	strace $0x90000047  }
0x3c: {  	s0 =	sadd.s32 @!p0 $0x100000, s1;
	[bflag:$0x2] =	sbarrier.arrive $0xFFFF  }
0x3d: {  	[sflag:s0] =	ssyncadd.tile.s32 @!p0 $0x1;
	_ =	shalt  }
.Lfunc_end2:
_tile_overlayer_lowered:
.L_overlay_start_2:
0x3e: {  	(tag) =	ssettag $0x2  }
0x3f: {  	s0 =	rddreg [dreg:$0x0];
	s2 =	stileid.u32  }
0x40: {  	s1 =	rddreg [dreg:$0x1];
	p0 =	sne.s32 s2, $0x0  }
0x41: {  	s3 =	rddreg [dreg:$0x2];
	[bflag:$0x3] =	sbarrier.arrive $0xFFFF;
	s2 =	simm.s32 @!p0 $0x1C02  }
0x42: {  	[timem:s3], [sflag:s2] =	dma.local @!p0 [hbm:s0], s1  }
0x43: {  	s0 =	simm.s32 @!p0 $0x2  }
0x44: {  	_ =	swait.ge @!p0 [sflag:s0], s1  }
0x45: {  	s1 =	ssub.s32 @!p0 $0x0, s1;
	[sflag:s0] =	ssyncset.done @!p0 $0x0  }
0x46: {  	[sflag:s0] =	ssyncadd.s32 @!p0 s1  }
0x47: {  	[bflag:$0x3] =	sbarrier.arrive $0xFFFF  }
0x48: {  	_ =	shalt  }

</sc_bundles>
